<compile_context>
chip_gen: v7x
topology: tpu7x:2x2x1
jax: 0.10.2.dev20260603
libtpu: 0.0.44.dev20260713+nightly
codegen_flags: <defaults>
</compile_context>

<pallas_src>
import functools

import jax
import jax.numpy as jnp
from jax import lax
from jax.experimental import pallas as pl
from jax.experimental.pallas import tpu as pltpu
from jax.experimental.pallas import tpu_sc as plsc

N_ROWS = 320000
N_DIM = 128
N_IMG = 10000
N_IMG_PAD = 10240

NC = 2
NS = 16
NW = NC * NS

ROWS_PER_TILE = N_ROWS // NW
SCATTER_B = 80
CHUNK_B = 1
CHUNK = SCATTER_B * CHUNK_B
N_CHUNKS = ROWS_PER_TILE // CHUNK
IMG_PER_TILE = N_IMG_PAD // NS
NBUF = 4


def _sc_partial_sums(x, idx1d, zeros):
    mesh = plsc.VectorSubcoreMesh(core_axis_name="c", subcore_axis_name="s")

    @functools.partial(
        pl.kernel,
        out_type=jax.ShapeDtypeStruct((NC, N_IMG_PAD, N_DIM), jnp.float32),
        mesh=mesh,
        scratch_types=[
            pltpu.VMEM((NBUF, CHUNK, N_DIM), jnp.float32),
            pltpu.VMEM((NBUF, CHUNK_B, SCATTER_B), jnp.int32),
            pltpu.VMEM_SHARED((N_IMG_PAD, N_DIM), jnp.float32),
            pltpu.SemaphoreType.DMA((NBUF,)),
            pltpu.SemaphoreType.DMA((NBUF,)),
        ],
    )
    def body(x_hbm, idx_hbm, zeros_hbm, out_hbm, xring, iring, acc,
             seml, sems):
        c = lax.axis_index("c")
        s = lax.axis_index("s")
        wid = c * NS + s

        def start_load(g):
            b = lax.rem(g, jnp.int32(NBUF))
            grp = wid * jnp.int32(N_CHUNKS) + g
            row0 = grp * jnp.int32(CHUNK)
            pltpu.async_copy(x_hbm.at[pl.ds(row0, CHUNK)], xring.at[b],
                             seml.at[b])
            pltpu.async_copy(idx_hbm.at[pl.ds(row0, CHUNK)],
                             iring.at[b, jnp.int32(0)], seml.at[b])

        def wait_load(g):
            b = lax.rem(g, jnp.int32(NBUF))
            grp = wid * jnp.int32(N_CHUNKS) + g
            row0 = grp * jnp.int32(CHUNK)
            pltpu.make_async_copy(x_hbm.at[pl.ds(row0, CHUNK)], xring.at[b],
                                  seml.at[b]).wait()
            pltpu.make_async_copy(idx_hbm.at[pl.ds(row0, CHUNK)],
                                  iring.at[b, jnp.int32(0)], seml.at[b]).wait()

        def fire_scatter(g):
            b = lax.rem(g, jnp.int32(NBUF))
            pltpu.async_copy(xring.at[b], acc.at[iring.at[b, jnp.int32(0)]],
                             sems.at[b], add=True)

        def drain_scatter(g):
            b = lax.rem(g, jnp.int32(NBUF))
            pltpu.make_async_copy(xring.at[b],
                                  acc.at[iring.at[b, jnp.int32(0)]],
                                  sems.at[b]).wait()

        start_load(jnp.int32(0))
        start_load(jnp.int32(1))
        pltpu.sync_copy(zeros_hbm, acc.at[pl.ds(s * IMG_PER_TILE, IMG_PER_TILE)])
        plsc.subcore_barrier()

        for g in (0, 1):
            start_load(jnp.int32(g + 2))
            wait_load(jnp.int32(g))
            fire_scatter(jnp.int32(g))

        def step(g, carry):
            drain_scatter(g - jnp.int32(2))
            start_load(g + jnp.int32(2))
            wait_load(g)
            fire_scatter(g)
            return carry

        lax.fori_loop(jnp.int32(2), jnp.int32(N_CHUNKS - 2), step,
                      jnp.int32(0))

        for g in (N_CHUNKS - 2, N_CHUNKS - 1):
            drain_scatter(jnp.int32(g - 2))
            wait_load(jnp.int32(g))
            fire_scatter(jnp.int32(g))
        for g in (N_CHUNKS - 2, N_CHUNKS - 1):
            drain_scatter(jnp.int32(g))

        plsc.subcore_barrier()
        pltpu.sync_copy(
            acc.at[pl.ds(s * IMG_PER_TILE, IMG_PER_TILE)],
            out_hbm.at[c, pl.ds(s * IMG_PER_TILE, IMG_PER_TILE)],
        )

    return body(x, idx1d, zeros)


def _combine_kernel(p_ref, c_ref, o_ref):
    o_ref[...] = (p_ref[0] + p_ref[1]) / c_ref[...]


def _combine(partials, counts):
    blk = 2000
    return pl.pallas_call(
        _combine_kernel,
        out_shape=jax.ShapeDtypeStruct((N_IMG, N_DIM), jnp.float32),
        grid=(N_IMG // blk,),
        in_specs=[
            pl.BlockSpec((NC, blk, N_DIM),
                         lambda i: (jnp.int32(0), i, jnp.int32(0))),
            pl.BlockSpec((blk, 1), lambda i: (i, jnp.int32(0))),
        ],
        out_specs=pl.BlockSpec((blk, N_DIM), lambda i: (i, jnp.int32(0))),
    )(partials, counts.reshape(N_IMG, 1))


def kernel(x, image_indices, counts):
    idx1d = image_indices.astype(jnp.int32)
    zeros = jnp.zeros((IMG_PER_TILE, N_DIM), jnp.float32)
    partials = _sc_partial_sums(x, idx1d, zeros)
    return _combine(partials, counts.astype(jnp.float32))

# --- scband reference (transcript-rebuilt; emitter-appended) ---
"""Pipeline reference for scband-image-average-54168127537343 (READ-ONLY COPY).

The authoritative reference and input builder live on the scoring server;
editing this copy changes nothing except your own understanding.
"""

import jax
jax.config.update("jax_enable_x64", True)
import jax.numpy as jnp
import numpy as np

N_REFLNS = 320000
N_DIM = 128
N_IMAGES = 10000

def setup_inputs(seed: int = 0) -> dict:
    key = jax.random.key(seed)
    k1, k2 = jax.random.split(key)
    x = jax.random.normal(k1, (N_REFLNS, N_DIM), dtype=jnp.float32)
    image_indices = jnp.sort(
        jax.random.randint(k2, (N_REFLNS,), 0, N_IMAGES, dtype=jnp.int64)
    )
    counts = jnp.ones((N_IMAGES,), dtype=jnp.float32)
    return {"x": x, "image_indices": image_indices, "counts": counts}

def reference(x, image_indices, counts):
    n_images = counts.shape[0]
    n_dim = x.shape[1]
    averaged = jnp.zeros((n_images, n_dim), dtype=x.dtype)
    averaged = averaged.at[image_indices].add(x)
    averaged = averaged / counts[:, None]
    return averaged

if __name__ == "__main__":
    import jax
    _d = setup_inputs()
    print(jax.jit(kernel)(*tuple(_d.values())))

</pallas_src>

<mosaic_0001>
#map = affine_map<(d0, d1) -> (0, 0)>
#map1 = affine_map<(d0, d1) -> (0)>
#map2 = affine_map<(d0, d1) -> (0, 0, 0)>
module attributes {stable_mosaic.version = 14 : i64} {
  func.func @body(%arg0: i32, %arg1: i32, %arg2: memref<320000x128xf32, #tpu.memory_space<hbm>>, %arg3: memref<320000xi32, #tpu.memory_space<hbm>>, %arg4: memref<640x128xf32, #tpu.memory_space<hbm>>, %arg5: memref<2x10240x128xf32, #tpu.memory_space<hbm>>, %arg6: memref<4x80x128xf32, #tpu.memory_space<vmem>>, %arg7: memref<4x1x80xi32, #tpu.memory_space<vmem>>, %arg8: memref<10240x128xf32, #tpu.memory_space<vmem_shared>>, %arg9: memref<4x!tpu.dma_semaphore, #tpu.memory_space<semaphore_mem>>, %arg10: memref<4x!tpu.dma_semaphore, #tpu.memory_space<semaphore_mem>>) attributes {dimension_semantics = [#tpu.dimension_semantics<core_parallel>, #tpu.dimension_semantics<subcore_parallel>], iteration_bounds = array<i64: 2, 16>, scalar_prefetch = 0 : i64, scratch_operands = 5 : i64, tpu.core_type = #tpu.core_type<sc_vector_subcore>, window_params = [{transform_indices = #map}, {transform_indices = #map1}, {transform_indices = #map}, {transform_indices = #map2}]} {
    %mul3A = arith.constant 16 : i32
    %mul3A_0 = arith.muli %arg0, %mul3A : i32
    %add3A = arith.addi %mul3A_0, %arg1 : i32
    %rem3A = arith.constant 0 : i32
    %rem3A_1 = arith.constant 4 : i32
    %rem3A_2 = arith.remsi %rem3A, %rem3A_1 : i32
    %mul3A_3 = arith.constant 125 : i32
    %mul3A_4 = arith.muli %add3A, %mul3A_3 : i32
    %add3A_5 = arith.constant 0 : i32
    %add3A_6 = arith.addi %mul3A_4, %add3A_5 : i32
    %mul3A_7 = arith.constant 80 : i32
    %mul3A_8 = arith.muli %add3A_6, %mul3A_7 : i32
    %dma_start3A = arith.constant 0 : i32
    %dma_start3A_9 = arith.constant 0 : i32
    %dma_start3A_10 = tpu.memref_slice %arg6[%rem3A_2, %dma_start3A, %dma_start3A_9] : memref<4x80x128xf32, #tpu.memory_space<vmem>> -> memref<1x80x128xf32, #tpu.memory_space<vmem>>
    %dma_start3A_11 = tpu.memref_squeeze %dma_start3A_10 : memref<1x80x128xf32, #tpu.memory_space<vmem>> -> memref<80x128xf32, #tpu.memory_space<vmem>>
    %dma_start3A_12 = arith.constant 0 : i32
    %dma_start3A_13 = tpu.memref_slice %arg2[%mul3A_8, %dma_start3A_12] : memref<320000x128xf32, #tpu.memory_space<hbm>> -> memref<80x128xf32, #tpu.memory_space<hbm>>
    %dma_start3A_14 = tpu.memref_slice %arg9[%rem3A_2] : memref<4x!tpu.dma_semaphore, #tpu.memory_space<semaphore_mem>> -> memref<1x!tpu.dma_semaphore, #tpu.memory_space<semaphore_mem>>
    %dma_start3A_15 = tpu.memref_squeeze %dma_start3A_14 : memref<1x!tpu.dma_semaphore, #tpu.memory_space<semaphore_mem>> -> memref<!tpu.dma_semaphore, #tpu.memory_space<semaphore_mem>>
    %dma_start3A_16 = arith.constant 0 : i32
    %dma_start3A_17 = arith.constant 0 : i32
    %dma_start3A_18 = tpu.memref_slice %arg6[%rem3A_2, %dma_start3A_16, %dma_start3A_17] : memref<4x80x128xf32, #tpu.memory_space<vmem>> -> memref<1x80x128xf32, #tpu.memory_space<vmem>>
    %dma_start3A_19 = tpu.memref_squeeze %dma_start3A_18 : memref<1x80x128xf32, #tpu.memory_space<vmem>> -> memref<80x128xf32, #tpu.memory_space<vmem>>
    %dma_start3A_20 = arith.constant 0 : i32
    %dma_start3A_21 = tpu.memref_slice %arg2[%mul3A_8, %dma_start3A_20] : memref<320000x128xf32, #tpu.memory_space<hbm>> -> memref<80x128xf32, #tpu.memory_space<hbm>>
    tpu.enqueue_dma source(%dma_start3A_21 : memref<80x128xf32, #tpu.memory_space<hbm>>) target(%dma_start3A_19 : memref<80x128xf32, #tpu.memory_space<vmem>>) target_semaphore(%dma_start3A_15 : memref<!tpu.dma_semaphore, #tpu.memory_space<semaphore_mem>>)
    %dma_start3A_22 = arith.constant 0 : i32
    %dma_start3A_23 = arith.constant 0 : i32
    %dma_start3A_24 = tpu.memref_slice %arg7[%rem3A_2, %dma_start3A_22, %dma_start3A_23] : memref<4x1x80xi32, #tpu.memory_space<vmem>> -> memref<1x1x80xi32, #tpu.memory_space<vmem>>
    %dma_start3A_25 = tpu.memref_squeeze %dma_start3A_24 : memref<1x1x80xi32, #tpu.memory_space<vmem>> -> memref<80xi32, #tpu.memory_space<vmem>>
    %dma_start3A_26 = tpu.memref_slice %arg3[%mul3A_8] : memref<320000xi32, #tpu.memory_space<hbm>> -> memref<80xi32, #tpu.memory_space<hbm>>
    %dma_start3A_27 = tpu.memref_slice %arg9[%rem3A_2] : memref<4x!tpu.dma_semaphore, #tpu.memory_space<semaphore_mem>> -> memref<1x!tpu.dma_semaphore, #tpu.memory_space<semaphore_mem>>
    %dma_start3A_28 = tpu.memref_squeeze %dma_start3A_27 : memref<1x!tpu.dma_semaphore, #tpu.memory_space<semaphore_mem>> -> memref<!tpu.dma_semaphore, #tpu.memory_space<semaphore_mem>>
    %dma_start3A_29 = arith.constant 0 : i32
    %dma_start3A_30 = tpu.memref_slice %arg7[%rem3A_2, %dma_start3A_22, %dma_start3A_29] : memref<4x1x80xi32, #tpu.memory_space<vmem>> -> memref<1x1x80xi32, #tpu.memory_space<vmem>>
    %dma_start3A_31 = tpu.memref_squeeze %dma_start3A_30 : memref<1x1x80xi32, #tpu.memory_space<vmem>> -> memref<80xi32, #tpu.memory_space<vmem>>
    %dma_start3A_32 = tpu.memref_slice %arg3[%mul3A_8] : memref<320000xi32, #tpu.memory_space<hbm>> -> memref<80xi32, #tpu.memory_space<hbm>>
    tpu.enqueue_dma source(%dma_start3A_32 : memref<80xi32, #tpu.memory_space<hbm>>) target(%dma_start3A_31 : memref<80xi32, #tpu.memory_space<vmem>>) target_semaphore(%dma_start3A_28 : memref<!tpu.dma_semaphore, #tpu.memory_space<semaphore_mem>>)
    %rem3A_33 = arith.constant 1 : i32
    %rem3A_34 = arith.constant 4 : i32
    %rem3A_35 = arith.remsi %rem3A_33, %rem3A_34 : i32
    %mul3A_36 = arith.constant 125 : i32
    %mul3A_37 = arith.muli %add3A, %mul3A_36 : i32
    %add3A_38 = arith.constant 1 : i32
    %add3A_39 = arith.addi %mul3A_37, %add3A_38 : i32
    %mul3A_40 = arith.constant 80 : i32
    %mul3A_41 = arith.muli %add3A_39, %mul3A_40 : i32
    %dma_start3A_42 = arith.constant 0 : i32
    %dma_start3A_43 = arith.constant 0 : i32
    %dma_start3A_44 = tpu.memref_slice %arg6[%rem3A_35, %dma_start3A_42, %dma_start3A_43] : memref<4x80x128xf32, #tpu.memory_space<vmem>> -> memref<1x80x128xf32, #tpu.memory_space<vmem>>
    %dma_start3A_45 = tpu.memref_squeeze %dma_start3A_44 : memref<1x80x128xf32, #tpu.memory_space<vmem>> -> memref<80x128xf32, #tpu.memory_space<vmem>>
    %dma_start3A_46 = arith.constant 0 : i32
    %dma_start3A_47 = tpu.memref_slice %arg2[%mul3A_41, %dma_start3A_46] : memref<320000x128xf32, #tpu.memory_space<hbm>> -> memref<80x128xf32, #tpu.memory_space<hbm>>
    %dma_start3A_48 = tpu.memref_slice %arg9[%rem3A_35] : memref<4x!tpu.dma_semaphore, #tpu.memory_space<semaphore_mem>> -> memref<1x!tpu.dma_semaphore, #tpu.memory_space<semaphore_mem>>
    %dma_start3A_49 = tpu.memref_squeeze %dma_start3A_48 : memref<1x!tpu.dma_semaphore, #tpu.memory_space<semaphore_mem>> -> memref<!tpu.dma_semaphore, #tpu.memory_space<semaphore_mem>>
    %dma_start3A_50 = arith.constant 0 : i32
    %dma_start3A_51 = arith.constant 0 : i32
    %dma_start3A_52 = tpu.memref_slice %arg6[%rem3A_35, %dma_start3A_50, %dma_start3A_51] : memref<4x80x128xf32, #tpu.memory_space<vmem>> -> memref<1x80x128xf32, #tpu.memory_space<vmem>>
    %dma_start3A_53 = tpu.memref_squeeze %dma_start3A_52 : memref<1x80x128xf32, #tpu.memory_space<vmem>> -> memref<80x128xf32, #tpu.memory_space<vmem>>
    %dma_start3A_54 = arith.constant 0 : i32
    %dma_start3A_55 = tpu.memref_slice %arg2[%mul3A_41, %dma_start3A_54] : memref<320000x128xf32, #tpu.memory_space<hbm>> -> memref<80x128xf32, #tpu.memory_space<hbm>>
    tpu.enqueue_dma source(%dma_start3A_55 : memref<80x128xf32, #tpu.memory_space<hbm>>) target(%dma_start3A_53 : memref<80x128xf32, #tpu.memory_space<vmem>>) target_semaphore(%dma_start3A_49 : memref<!tpu.dma_semaphore, #tpu.memory_space<semaphore_mem>>)
    %dma_start3A_56 = arith.constant 0 : i32
    %dma_start3A_57 = arith.constant 0 : i32
    %dma_start3A_58 = tpu.memref_slice %arg7[%rem3A_35, %dma_start3A_56, %dma_start3A_57] : memref<4x1x80xi32, #tpu.memory_space<vmem>> -> memref<1x1x80xi32, #tpu.memory_space<vmem>>
    %dma_start3A_59 = tpu.memref_squeeze %dma_start3A_58 : memref<1x1x80xi32, #tpu.memory_space<vmem>> -> memref<80xi32, #tpu.memory_space<vmem>>
    %dma_start3A_60 = tpu.memref_slice %arg3[%mul3A_41] : memref<320000xi32, #tpu.memory_space<hbm>> -> memref<80xi32, #tpu.memory_space<hbm>>
    %dma_start3A_61 = tpu.memref_slice %arg9[%rem3A_35] : memref<4x!tpu.dma_semaphore, #tpu.memory_space<semaphore_mem>> -> memref<1x!tpu.dma_semaphore, #tpu.memory_space<semaphore_mem>>
    %dma_start3A_62 = tpu.memref_squeeze %dma_start3A_61 : memref<1x!tpu.dma_semaphore, #tpu.memory_space<semaphore_mem>> -> memref<!tpu.dma_semaphore, #tpu.memory_space<semaphore_mem>>
    %dma_start3A_63 = arith.constant 0 : i32
    %dma_start3A_64 = tpu.memref_slice %arg7[%rem3A_35, %dma_start3A_56, %dma_start3A_63] : memref<4x1x80xi32, #tpu.memory_space<vmem>> -> memref<1x1x80xi32, #tpu.memory_space<vmem>>
    %dma_start3A_65 = tpu.memref_squeeze %dma_start3A_64 : memref<1x1x80xi32, #tpu.memory_space<vmem>> -> memref<80xi32, #tpu.memory_space<vmem>>
    %dma_start3A_66 = tpu.memref_slice %arg3[%mul3A_41] : memref<320000xi32, #tpu.memory_space<hbm>> -> memref<80xi32, #tpu.memory_space<hbm>>
    tpu.enqueue_dma source(%dma_start3A_66 : memref<80xi32, #tpu.memory_space<hbm>>) target(%dma_start3A_65 : memref<80xi32, #tpu.memory_space<vmem>>) target_semaphore(%dma_start3A_62 : memref<!tpu.dma_semaphore, #tpu.memory_space<semaphore_mem>>)
    %mul3A_67 = arith.constant 640 : i32
    %mul3A_68 = arith.muli %arg1, %mul3A_67 : i32
    "tpu.region"() ({
      %run_scoped3A = tpu.sem_alloc : memref<!tpu.dma_semaphore, #tpu.memory_space<semaphore_mem>>
      %dma_start3A_415 = arith.constant 0 : i32
      %dma_start3A_416 = tpu.memref_slice %arg8[%mul3A_68, %dma_start3A_415] : memref<10240x128xf32, #tpu.memory_space<vmem_shared>> -> memref<640x128xf32, #tpu.memory_space<vmem_shared>>
      tpu.enqueue_dma source(%arg4 : memref<640x128xf32, #tpu.memory_space<hbm>>) target(%dma_start3A_416 : memref<640x128xf32, #tpu.memory_space<vmem_shared>>) target_semaphore(%run_scoped3A : memref<!tpu.dma_semaphore, #tpu.memory_space<semaphore_mem>>)
      %dma_wait3A_417 = arith.constant 0 : i32
      %dma_wait3A_418 = tpu.memref_slice %arg8[%mul3A_68, %dma_wait3A_417] : memref<10240x128xf32, #tpu.memory_space<vmem_shared>> -> memref<640x128xf32, #tpu.memory_space<vmem_shared>>
      tpu.wait_dma2 semaphore(%run_scoped3A : memref<!tpu.dma_semaphore, #tpu.memory_space<semaphore_mem>>) src(%arg4 : memref<640x128xf32, #tpu.memory_space<hbm>>) dst(%dma_wait3A_418 : memref<640x128xf32, #tpu.memory_space<vmem_shared>>)
      tpu.yield
    }) : () -> ()
    %barrier3A = arith.constant 0 : index
    tpu.barrier barrier_id(%barrier3A)
    %rem3A_69 = arith.constant 2 : i32
    %rem3A_70 = arith.constant 4 : i32
    %rem3A_71 = arith.remsi %rem3A_69, %rem3A_70 : i32
    %mul3A_72 = arith.constant 125 : i32
    %mul3A_73 = arith.muli %add3A, %mul3A_72 : i32
    %add3A_74 = arith.constant 2 : i32
    %add3A_75 = arith.addi %mul3A_73, %add3A_74 : i32
    %mul3A_76 = arith.constant 80 : i32
    %mul3A_77 = arith.muli %add3A_75, %mul3A_76 : i32
    %dma_start3A_78 = arith.constant 0 : i32
    %dma_start3A_79 = arith.constant 0 : i32
    %dma_start3A_80 = tpu.memref_slice %arg6[%rem3A_71, %dma_start3A_78, %dma_start3A_79] : memref<4x80x128xf32, #tpu.memory_space<vmem>> -> memref<1x80x128xf32, #tpu.memory_space<vmem>>
    %dma_start3A_81 = tpu.memref_squeeze %dma_start3A_80 : memref<1x80x128xf32, #tpu.memory_space<vmem>> -> memref<80x128xf32, #tpu.memory_space<vmem>>
    %dma_start3A_82 = arith.constant 0 : i32
    %dma_start3A_83 = tpu.memref_slice %arg2[%mul3A_77, %dma_start3A_82] : memref<320000x128xf32, #tpu.memory_space<hbm>> -> memref<80x128xf32, #tpu.memory_space<hbm>>
    %dma_start3A_84 = tpu.memref_slice %arg9[%rem3A_71] : memref<4x!tpu.dma_semaphore, #tpu.memory_space<semaphore_mem>> -> memref<1x!tpu.dma_semaphore, #tpu.memory_space<semaphore_mem>>
    %dma_start3A_85 = tpu.memref_squeeze %dma_start3A_84 : memref<1x!tpu.dma_semaphore, #tpu.memory_space<semaphore_mem>> -> memref<!tpu.dma_semaphore, #tpu.memory_space<semaphore_mem>>
    %dma_start3A_86 = arith.constant 0 : i32
    %dma_start3A_87 = arith.constant 0 : i32
    %dma_start3A_88 = tpu.memref_slice %arg6[%rem3A_71, %dma_start3A_86, %dma_start3A_87] : memref<4x80x128xf32, #tpu.memory_space<vmem>> -> memref<1x80x128xf32, #tpu.memory_space<vmem>>
    %dma_start3A_89 = tpu.memref_squeeze %dma_start3A_88 : memref<1x80x128xf32, #tpu.memory_space<vmem>> -> memref<80x128xf32, #tpu.memory_space<vmem>>
    %dma_start3A_90 = arith.constant 0 : i32
    %dma_start3A_91 = tpu.memref_slice %arg2[%mul3A_77, %dma_start3A_90] : memref<320000x128xf32, #tpu.memory_space<hbm>> -> memref<80x128xf32, #tpu.memory_space<hbm>>
    tpu.enqueue_dma source(%dma_start3A_91 : memref<80x128xf32, #tpu.memory_space<hbm>>) target(%dma_start3A_89 : memref<80x128xf32, #tpu.memory_space<vmem>>) target_semaphore(%dma_start3A_85 : memref<!tpu.dma_semaphore, #tpu.memory_space<semaphore_mem>>)
    %dma_start3A_92 = arith.constant 0 : i32
    %dma_start3A_93 = arith.constant 0 : i32
    %dma_start3A_94 = tpu.memref_slice %arg7[%rem3A_71, %dma_start3A_92, %dma_start3A_93] : memref<4x1x80xi32, #tpu.memory_space<vmem>> -> memref<1x1x80xi32, #tpu.memory_space<vmem>>
    %dma_start3A_95 = tpu.memref_squeeze %dma_start3A_94 : memref<1x1x80xi32, #tpu.memory_space<vmem>> -> memref<80xi32, #tpu.memory_space<vmem>>
    %dma_start3A_96 = tpu.memref_slice %arg3[%mul3A_77] : memref<320000xi32, #tpu.memory_space<hbm>> -> memref<80xi32, #tpu.memory_space<hbm>>
    %dma_start3A_97 = tpu.memref_slice %arg9[%rem3A_71] : memref<4x!tpu.dma_semaphore, #tpu.memory_space<semaphore_mem>> -> memref<1x!tpu.dma_semaphore, #tpu.memory_space<semaphore_mem>>
    %dma_start3A_98 = tpu.memref_squeeze %dma_start3A_97 : memref<1x!tpu.dma_semaphore, #tpu.memory_space<semaphore_mem>> -> memref<!tpu.dma_semaphore, #tpu.memory_space<semaphore_mem>>
    %dma_start3A_99 = arith.constant 0 : i32
    %dma_start3A_100 = tpu.memref_slice %arg7[%rem3A_71, %dma_start3A_92, %dma_start3A_99] : memref<4x1x80xi32, #tpu.memory_space<vmem>> -> memref<1x1x80xi32, #tpu.memory_space<vmem>>
    %dma_start3A_101 = tpu.memref_squeeze %dma_start3A_100 : memref<1x1x80xi32, #tpu.memory_space<vmem>> -> memref<80xi32, #tpu.memory_space<vmem>>
    %dma_start3A_102 = tpu.memref_slice %arg3[%mul3A_77] : memref<320000xi32, #tpu.memory_space<hbm>> -> memref<80xi32, #tpu.memory_space<hbm>>
    tpu.enqueue_dma source(%dma_start3A_102 : memref<80xi32, #tpu.memory_space<hbm>>) target(%dma_start3A_101 : memref<80xi32, #tpu.memory_space<vmem>>) target_semaphore(%dma_start3A_98 : memref<!tpu.dma_semaphore, #tpu.memory_space<semaphore_mem>>)
    %rem3A_103 = arith.constant 0 : i32
    %rem3A_104 = arith.constant 4 : i32
    %rem3A_105 = arith.remsi %rem3A_103, %rem3A_104 : i32
    %mul3A_106 = arith.constant 125 : i32
    %mul3A_107 = arith.muli %add3A, %mul3A_106 : i32
    %add3A_108 = arith.constant 0 : i32
    %add3A_109 = arith.addi %mul3A_107, %add3A_108 : i32
    %mul3A_110 = arith.constant 80 : i32
    %mul3A_111 = arith.muli %add3A_109, %mul3A_110 : i32
    %dma_wait3A = arith.constant 0 : i32
    %dma_wait3A_112 = arith.constant 0 : i32
    %dma_wait3A_113 = tpu.memref_slice %arg6[%rem3A_105, %dma_wait3A, %dma_wait3A_112] : memref<4x80x128xf32, #tpu.memory_space<vmem>> -> memref<1x80x128xf32, #tpu.memory_space<vmem>>
    %dma_wait3A_114 = tpu.memref_squeeze %dma_wait3A_113 : memref<1x80x128xf32, #tpu.memory_space<vmem>> -> memref<80x128xf32, #tpu.memory_space<vmem>>
    %dma_wait3A_115 = arith.constant 0 : i32
    %dma_wait3A_116 = tpu.memref_slice %arg2[%mul3A_111, %dma_wait3A_115] : memref<320000x128xf32, #tpu.memory_space<hbm>> -> memref<80x128xf32, #tpu.memory_space<hbm>>
    %dma_wait3A_117 = tpu.memref_slice %arg9[%rem3A_105] : memref<4x!tpu.dma_semaphore, #tpu.memory_space<semaphore_mem>> -> memref<1x!tpu.dma_semaphore, #tpu.memory_space<semaphore_mem>>
    %dma_wait3A_118 = tpu.memref_squeeze %dma_wait3A_117 : memref<1x!tpu.dma_semaphore, #tpu.memory_space<semaphore_mem>> -> memref<!tpu.dma_semaphore, #tpu.memory_space<semaphore_mem>>
    %dma_wait3A_119 = arith.constant 0 : i32
    %dma_wait3A_120 = arith.constant 0 : i32
    %dma_wait3A_121 = tpu.memref_slice %arg6[%rem3A_105, %dma_wait3A_119, %dma_wait3A_120] : memref<4x80x128xf32, #tpu.memory_space<vmem>> -> memref<1x80x128xf32, #tpu.memory_space<vmem>>
    %dma_wait3A_122 = tpu.memref_squeeze %dma_wait3A_121 : memref<1x80x128xf32, #tpu.memory_space<vmem>> -> memref<80x128xf32, #tpu.memory_space<vmem>>
    %dma_wait3A_123 = arith.constant 0 : i32
    %dma_wait3A_124 = tpu.memref_slice %arg2[%mul3A_111, %dma_wait3A_123] : memref<320000x128xf32, #tpu.memory_space<hbm>> -> memref<80x128xf32, #tpu.memory_space<hbm>>
    tpu.wait_dma2 semaphore(%dma_wait3A_118 : memref<!tpu.dma_semaphore, #tpu.memory_space<semaphore_mem>>) src(%dma_wait3A_124 : memref<80x128xf32, #tpu.memory_space<hbm>>) dst(%dma_wait3A_122 : memref<80x128xf32, #tpu.memory_space<vmem>>)
    %dma_wait3A_125 = arith.constant 0 : i32
    %dma_wait3A_126 = arith.constant 0 : i32
    %dma_wait3A_127 = tpu.memref_slice %arg7[%rem3A_105, %dma_wait3A_125, %dma_wait3A_126] : memref<4x1x80xi32, #tpu.memory_space<vmem>> -> memref<1x1x80xi32, #tpu.memory_space<vmem>>
    %dma_wait3A_128 = tpu.memref_squeeze %dma_wait3A_127 : memref<1x1x80xi32, #tpu.memory_space<vmem>> -> memref<80xi32, #tpu.memory_space<vmem>>
    %dma_wait3A_129 = tpu.memref_slice %arg3[%mul3A_111] : memref<320000xi32, #tpu.memory_space<hbm>> -> memref<80xi32, #tpu.memory_space<hbm>>
    %dma_wait3A_130 = tpu.memref_slice %arg9[%rem3A_105] : memref<4x!tpu.dma_semaphore, #tpu.memory_space<semaphore_mem>> -> memref<1x!tpu.dma_semaphore, #tpu.memory_space<semaphore_mem>>
    %dma_wait3A_131 = tpu.memref_squeeze %dma_wait3A_130 : memref<1x!tpu.dma_semaphore, #tpu.memory_space<semaphore_mem>> -> memref<!tpu.dma_semaphore, #tpu.memory_space<semaphore_mem>>
    %dma_wait3A_132 = arith.constant 0 : i32
    %dma_wait3A_133 = tpu.memref_slice %arg7[%rem3A_105, %dma_wait3A_125, %dma_wait3A_132] : memref<4x1x80xi32, #tpu.memory_space<vmem>> -> memref<1x1x80xi32, #tpu.memory_space<vmem>>
    %dma_wait3A_134 = tpu.memref_squeeze %dma_wait3A_133 : memref<1x1x80xi32, #tpu.memory_space<vmem>> -> memref<80xi32, #tpu.memory_space<vmem>>
    %dma_wait3A_135 = tpu.memref_slice %arg3[%mul3A_111] : memref<320000xi32, #tpu.memory_space<hbm>> -> memref<80xi32, #tpu.memory_space<hbm>>
    tpu.wait_dma2 semaphore(%dma_wait3A_131 : memref<!tpu.dma_semaphore, #tpu.memory_space<semaphore_mem>>) src(%dma_wait3A_135 : memref<80xi32, #tpu.memory_space<hbm>>) dst(%dma_wait3A_134 : memref<80xi32, #tpu.memory_space<vmem>>)
    %rem3A_136 = arith.constant 0 : i32
    %rem3A_137 = arith.constant 4 : i32
    %rem3A_138 = arith.remsi %rem3A_136, %rem3A_137 : i32
    %dma_start3A_139 = arith.constant 0 : i32
    %dma_start3A_140 = arith.constant 0 : i32
    %dma_start3A_141 = arith.constant 0 : i32
    %dma_start3A_142 = tpu.memref_slice %arg6[%rem3A_138, %dma_start3A_140, %dma_start3A_141] : memref<4x80x128xf32, #tpu.memory_space<vmem>> -> memref<1x80x128xf32, #tpu.memory_space<vmem>>
    %dma_start3A_143 = tpu.memref_squeeze %dma_start3A_142 : memref<1x80x128xf32, #tpu.memory_space<vmem>> -> memref<80x128xf32, #tpu.memory_space<vmem>>
    %dma_start3A_144 = arith.constant 0 : i32
    %dma_start3A_145 = tpu.memref_slice %arg7[%rem3A_138, %dma_start3A_139, %dma_start3A_144] : memref<4x1x80xi32, #tpu.memory_space<vmem>> -> memref<1x1x80xi32, #tpu.memory_space<vmem>>
    %dma_start3A_146 = tpu.memref_squeeze %dma_start3A_145 : memref<1x1x80xi32, #tpu.memory_space<vmem>> -> memref<80xi32, #tpu.memory_space<vmem>>
    %dma_start3A_147 = arith.constant 0 : i32
    %dma_start3A_148 = arith.constant 0 : i32
    %dma_start3A_149 = tpu.memref_slice %arg8[%dma_start3A_147, %dma_start3A_148] : memref<10240x128xf32, #tpu.memory_space<vmem_shared>> -> memref<10240x128xf32, #tpu.memory_space<vmem_shared>>
    %dma_start3A_150 = tpu.memref_slice %arg10[%rem3A_138] : memref<4x!tpu.dma_semaphore, #tpu.memory_space<semaphore_mem>> -> memref<1x!tpu.dma_semaphore, #tpu.memory_space<semaphore_mem>>
    %dma_start3A_151 = tpu.memref_squeeze %dma_start3A_150 : memref<1x!tpu.dma_semaphore, #tpu.memory_space<semaphore_mem>> -> memref<!tpu.dma_semaphore, #tpu.memory_space<semaphore_mem>>
    tpu.enqueue_indirect_dma source(%dma_start3A_143 : memref<80x128xf32, #tpu.memory_space<vmem>>) target(%dma_start3A_149 : memref<10240x128xf32, #tpu.memory_space<vmem_shared>>) offsets(%dma_start3A_146 : memref<80xi32, #tpu.memory_space<vmem>>) semaphore(%dma_start3A_151 : memref<!tpu.dma_semaphore, #tpu.memory_space<semaphore_mem>>) {add = true}
    %rem3A_152 = arith.constant 3 : i32
    %rem3A_153 = arith.constant 4 : i32
    %rem3A_154 = arith.remsi %rem3A_152, %rem3A_153 : i32
    %mul3A_155 = arith.constant 125 : i32
    %mul3A_156 = arith.muli %add3A, %mul3A_155 : i32
    %add3A_157 = arith.constant 3 : i32
    %add3A_158 = arith.addi %mul3A_156, %add3A_157 : i32
    %mul3A_159 = arith.constant 80 : i32
    %mul3A_160 = arith.muli %add3A_158, %mul3A_159 : i32
    %dma_start3A_161 = arith.constant 0 : i32
    %dma_start3A_162 = arith.constant 0 : i32
    %dma_start3A_163 = tpu.memref_slice %arg6[%rem3A_154, %dma_start3A_161, %dma_start3A_162] : memref<4x80x128xf32, #tpu.memory_space<vmem>> -> memref<1x80x128xf32, #tpu.memory_space<vmem>>
    %dma_start3A_164 = tpu.memref_squeeze %dma_start3A_163 : memref<1x80x128xf32, #tpu.memory_space<vmem>> -> memref<80x128xf32, #tpu.memory_space<vmem>>
    %dma_start3A_165 = arith.constant 0 : i32
    %dma_start3A_166 = tpu.memref_slice %arg2[%mul3A_160, %dma_start3A_165] : memref<320000x128xf32, #tpu.memory_space<hbm>> -> memref<80x128xf32, #tpu.memory_space<hbm>>
    %dma_start3A_167 = tpu.memref_slice %arg9[%rem3A_154] : memref<4x!tpu.dma_semaphore, #tpu.memory_space<semaphore_mem>> -> memref<1x!tpu.dma_semaphore, #tpu.memory_space<semaphore_mem>>
    %dma_start3A_168 = tpu.memref_squeeze %dma_start3A_167 : memref<1x!tpu.dma_semaphore, #tpu.memory_space<semaphore_mem>> -> memref<!tpu.dma_semaphore, #tpu.memory_space<semaphore_mem>>
    %dma_start3A_169 = arith.constant 0 : i32
    %dma_start3A_170 = arith.constant 0 : i32
    %dma_start3A_171 = tpu.memref_slice %arg6[%rem3A_154, %dma_start3A_169, %dma_start3A_170] : memref<4x80x128xf32, #tpu.memory_space<vmem>> -> memref<1x80x128xf32, #tpu.memory_space<vmem>>
    %dma_start3A_172 = tpu.memref_squeeze %dma_start3A_171 : memref<1x80x128xf32, #tpu.memory_space<vmem>> -> memref<80x128xf32, #tpu.memory_space<vmem>>
    %dma_start3A_173 = arith.constant 0 : i32
    %dma_start3A_174 = tpu.memref_slice %arg2[%mul3A_160, %dma_start3A_173] : memref<320000x128xf32, #tpu.memory_space<hbm>> -> memref<80x128xf32, #tpu.memory_space<hbm>>
    tpu.enqueue_dma source(%dma_start3A_174 : memref<80x128xf32, #tpu.memory_space<hbm>>) target(%dma_start3A_172 : memref<80x128xf32, #tpu.memory_space<vmem>>) target_semaphore(%dma_start3A_168 : memref<!tpu.dma_semaphore, #tpu.memory_space<semaphore_mem>>)
    %dma_start3A_175 = arith.constant 0 : i32
    %dma_start3A_176 = arith.constant 0 : i32
    %dma_start3A_177 = tpu.memref_slice %arg7[%rem3A_154, %dma_start3A_175, %dma_start3A_176] : memref<4x1x80xi32, #tpu.memory_space<vmem>> -> memref<1x1x80xi32, #tpu.memory_space<vmem>>
    %dma_start3A_178 = tpu.memref_squeeze %dma_start3A_177 : memref<1x1x80xi32, #tpu.memory_space<vmem>> -> memref<80xi32, #tpu.memory_space<vmem>>
    %dma_start3A_179 = tpu.memref_slice %arg3[%mul3A_160] : memref<320000xi32, #tpu.memory_space<hbm>> -> memref<80xi32, #tpu.memory_space<hbm>>
    %dma_start3A_180 = tpu.memref_slice %arg9[%rem3A_154] : memref<4x!tpu.dma_semaphore, #tpu.memory_space<semaphore_mem>> -> memref<1x!tpu.dma_semaphore, #tpu.memory_space<semaphore_mem>>
    %dma_start3A_181 = tpu.memref_squeeze %dma_start3A_180 : memref<1x!tpu.dma_semaphore, #tpu.memory_space<semaphore_mem>> -> memref<!tpu.dma_semaphore, #tpu.memory_space<semaphore_mem>>
    %dma_start3A_182 = arith.constant 0 : i32
    %dma_start3A_183 = tpu.memref_slice %arg7[%rem3A_154, %dma_start3A_175, %dma_start3A_182] : memref<4x1x80xi32, #tpu.memory_space<vmem>> -> memref<1x1x80xi32, #tpu.memory_space<vmem>>
    %dma_start3A_184 = tpu.memref_squeeze %dma_start3A_183 : memref<1x1x80xi32, #tpu.memory_space<vmem>> -> memref<80xi32, #tpu.memory_space<vmem>>
    %dma_start3A_185 = tpu.memref_slice %arg3[%mul3A_160] : memref<320000xi32, #tpu.memory_space<hbm>> -> memref<80xi32, #tpu.memory_space<hbm>>
    tpu.enqueue_dma source(%dma_start3A_185 : memref<80xi32, #tpu.memory_space<hbm>>) target(%dma_start3A_184 : memref<80xi32, #tpu.memory_space<vmem>>) target_semaphore(%dma_start3A_181 : memref<!tpu.dma_semaphore, #tpu.memory_space<semaphore_mem>>)
    %rem3A_186 = arith.constant 1 : i32
    %rem3A_187 = arith.constant 4 : i32
    %rem3A_188 = arith.remsi %rem3A_186, %rem3A_187 : i32
    %mul3A_189 = arith.constant 125 : i32
    %mul3A_190 = arith.muli %add3A, %mul3A_189 : i32
    %add3A_191 = arith.constant 1 : i32
    %add3A_192 = arith.addi %mul3A_190, %add3A_191 : i32
    %mul3A_193 = arith.constant 80 : i32
    %mul3A_194 = arith.muli %add3A_192, %mul3A_193 : i32
    %dma_wait3A_195 = arith.constant 0 : i32
    %dma_wait3A_196 = arith.constant 0 : i32
    %dma_wait3A_197 = tpu.memref_slice %arg6[%rem3A_188, %dma_wait3A_195, %dma_wait3A_196] : memref<4x80x128xf32, #tpu.memory_space<vmem>> -> memref<1x80x128xf32, #tpu.memory_space<vmem>>
    %dma_wait3A_198 = tpu.memref_squeeze %dma_wait3A_197 : memref<1x80x128xf32, #tpu.memory_space<vmem>> -> memref<80x128xf32, #tpu.memory_space<vmem>>
    %dma_wait3A_199 = arith.constant 0 : i32
    %dma_wait3A_200 = tpu.memref_slice %arg2[%mul3A_194, %dma_wait3A_199] : memref<320000x128xf32, #tpu.memory_space<hbm>> -> memref<80x128xf32, #tpu.memory_space<hbm>>
    %dma_wait3A_201 = tpu.memref_slice %arg9[%rem3A_188] : memref<4x!tpu.dma_semaphore, #tpu.memory_space<semaphore_mem>> -> memref<1x!tpu.dma_semaphore, #tpu.memory_space<semaphore_mem>>
    %dma_wait3A_202 = tpu.memref_squeeze %dma_wait3A_201 : memref<1x!tpu.dma_semaphore, #tpu.memory_space<semaphore_mem>> -> memref<!tpu.dma_semaphore, #tpu.memory_space<semaphore_mem>>
    %dma_wait3A_203 = arith.constant 0 : i32
    %dma_wait3A_204 = arith.constant 0 : i32
    %dma_wait3A_205 = tpu.memref_slice %arg6[%rem3A_188, %dma_wait3A_203, %dma_wait3A_204] : memref<4x80x128xf32, #tpu.memory_space<vmem>> -> memref<1x80x128xf32, #tpu.memory_space<vmem>>
    %dma_wait3A_206 = tpu.memref_squeeze %dma_wait3A_205 : memref<1x80x128xf32, #tpu.memory_space<vmem>> -> memref<80x128xf32, #tpu.memory_space<vmem>>
    %dma_wait3A_207 = arith.constant 0 : i32
    %dma_wait3A_208 = tpu.memref_slice %arg2[%mul3A_194, %dma_wait3A_207] : memref<320000x128xf32, #tpu.memory_space<hbm>> -> memref<80x128xf32, #tpu.memory_space<hbm>>
    tpu.wait_dma2 semaphore(%dma_wait3A_202 : memref<!tpu.dma_semaphore, #tpu.memory_space<semaphore_mem>>) src(%dma_wait3A_208 : memref<80x128xf32, #tpu.memory_space<hbm>>) dst(%dma_wait3A_206 : memref<80x128xf32, #tpu.memory_space<vmem>>)
    %dma_wait3A_209 = arith.constant 0 : i32
    %dma_wait3A_210 = arith.constant 0 : i32
    %dma_wait3A_211 = tpu.memref_slice %arg7[%rem3A_188, %dma_wait3A_209, %dma_wait3A_210] : memref<4x1x80xi32, #tpu.memory_space<vmem>> -> memref<1x1x80xi32, #tpu.memory_space<vmem>>
    %dma_wait3A_212 = tpu.memref_squeeze %dma_wait3A_211 : memref<1x1x80xi32, #tpu.memory_space<vmem>> -> memref<80xi32, #tpu.memory_space<vmem>>
    %dma_wait3A_213 = tpu.memref_slice %arg3[%mul3A_194] : memref<320000xi32, #tpu.memory_space<hbm>> -> memref<80xi32, #tpu.memory_space<hbm>>
    %dma_wait3A_214 = tpu.memref_slice %arg9[%rem3A_188] : memref<4x!tpu.dma_semaphore, #tpu.memory_space<semaphore_mem>> -> memref<1x!tpu.dma_semaphore, #tpu.memory_space<semaphore_mem>>
    %dma_wait3A_215 = tpu.memref_squeeze %dma_wait3A_214 : memref<1x!tpu.dma_semaphore, #tpu.memory_space<semaphore_mem>> -> memref<!tpu.dma_semaphore, #tpu.memory_space<semaphore_mem>>
    %dma_wait3A_216 = arith.constant 0 : i32
    %dma_wait3A_217 = tpu.memref_slice %arg7[%rem3A_188, %dma_wait3A_209, %dma_wait3A_216] : memref<4x1x80xi32, #tpu.memory_space<vmem>> -> memref<1x1x80xi32, #tpu.memory_space<vmem>>
    %dma_wait3A_218 = tpu.memref_squeeze %dma_wait3A_217 : memref<1x1x80xi32, #tpu.memory_space<vmem>> -> memref<80xi32, #tpu.memory_space<vmem>>
    %dma_wait3A_219 = tpu.memref_slice %arg3[%mul3A_194] : memref<320000xi32, #tpu.memory_space<hbm>> -> memref<80xi32, #tpu.memory_space<hbm>>
    tpu.wait_dma2 semaphore(%dma_wait3A_215 : memref<!tpu.dma_semaphore, #tpu.memory_space<semaphore_mem>>) src(%dma_wait3A_219 : memref<80xi32, #tpu.memory_space<hbm>>) dst(%dma_wait3A_218 : memref<80xi32, #tpu.memory_space<vmem>>)
    %rem3A_220 = arith.constant 1 : i32
    %rem3A_221 = arith.constant 4 : i32
    %rem3A_222 = arith.remsi %rem3A_220, %rem3A_221 : i32
    %dma_start3A_223 = arith.constant 0 : i32
    %dma_start3A_224 = arith.constant 0 : i32
    %dma_start3A_225 = arith.constant 0 : i32
    %dma_start3A_226 = tpu.memref_slice %arg6[%rem3A_222, %dma_start3A_224, %dma_start3A_225] : memref<4x80x128xf32, #tpu.memory_space<vmem>> -> memref<1x80x128xf32, #tpu.memory_space<vmem>>
    %dma_start3A_227 = tpu.memref_squeeze %dma_start3A_226 : memref<1x80x128xf32, #tpu.memory_space<vmem>> -> memref<80x128xf32, #tpu.memory_space<vmem>>
    %dma_start3A_228 = arith.constant 0 : i32
    %dma_start3A_229 = tpu.memref_slice %arg7[%rem3A_222, %dma_start3A_223, %dma_start3A_228] : memref<4x1x80xi32, #tpu.memory_space<vmem>> -> memref<1x1x80xi32, #tpu.memory_space<vmem>>
    %dma_start3A_230 = tpu.memref_squeeze %dma_start3A_229 : memref<1x1x80xi32, #tpu.memory_space<vmem>> -> memref<80xi32, #tpu.memory_space<vmem>>
    %dma_start3A_231 = arith.constant 0 : i32
    %dma_start3A_232 = arith.constant 0 : i32
    %dma_start3A_233 = tpu.memref_slice %arg8[%dma_start3A_231, %dma_start3A_232] : memref<10240x128xf32, #tpu.memory_space<vmem_shared>> -> memref<10240x128xf32, #tpu.memory_space<vmem_shared>>
    %dma_start3A_234 = tpu.memref_slice %arg10[%rem3A_222] : memref<4x!tpu.dma_semaphore, #tpu.memory_space<semaphore_mem>> -> memref<1x!tpu.dma_semaphore, #tpu.memory_space<semaphore_mem>>
    %dma_start3A_235 = tpu.memref_squeeze %dma_start3A_234 : memref<1x!tpu.dma_semaphore, #tpu.memory_space<semaphore_mem>> -> memref<!tpu.dma_semaphore, #tpu.memory_space<semaphore_mem>>
    tpu.enqueue_indirect_dma source(%dma_start3A_227 : memref<80x128xf32, #tpu.memory_space<vmem>>) target(%dma_start3A_233 : memref<10240x128xf32, #tpu.memory_space<vmem_shared>>) offsets(%dma_start3A_230 : memref<80xi32, #tpu.memory_space<vmem>>) semaphore(%dma_start3A_235 : memref<!tpu.dma_semaphore, #tpu.memory_space<semaphore_mem>>) {add = true}
    %while3A = arith.constant 0 : i32
    %while3A_236 = arith.constant 2 : i32
    %while3A_237 = arith.constant 123 : i32
    %while3A_238 = arith.subi %while3A_237, %while3A_236 : i32
    %while3A_239 = arith.addi %while3A_236, %while3A_238 : i32
    %while3A_240 = arith.constant 1 : i32
    %while3A_241 = arith.divsi %while3A_238, %while3A_240 : i32
    %while3A_242 = arith.muli %while3A_241, %while3A_240 : i32
    %while3A_243 = arith.addi %while3A_236, %while3A_242 : i32
    %while3A_244 = arith.constant 1 : i32
    scf.for %while3A_415 = %while3A_236 to %while3A_243 step %while3A_244  : i32 {
      %sub3A = arith.constant 2 : i32
      %sub3A_416 = arith.subi %while3A_415, %sub3A : i32
      %rem3A_417 = arith.constant 4 : i32
      %rem3A_418 = arith.remsi %sub3A_416, %rem3A_417 : i32
      %dma_wait3A_419 = arith.constant 0 : i32
      %dma_wait3A_420 = arith.constant 0 : i32
      %dma_wait3A_421 = arith.constant 0 : i32
      %dma_wait3A_422 = tpu.memref_slice %arg6[%rem3A_418, %dma_wait3A_420, %dma_wait3A_421] : memref<4x80x128xf32, #tpu.memory_space<vmem>> -> memref<1x80x128xf32, #tpu.memory_space<vmem>>
      %dma_wait3A_423 = tpu.memref_squeeze %dma_wait3A_422 : memref<1x80x128xf32, #tpu.memory_space<vmem>> -> memref<80x128xf32, #tpu.memory_space<vmem>>
      %dma_wait3A_424 = arith.constant 0 : i32
      %dma_wait3A_425 = tpu.memref_slice %arg7[%rem3A_418, %dma_wait3A_419, %dma_wait3A_424] : memref<4x1x80xi32, #tpu.memory_space<vmem>> -> memref<1x1x80xi32, #tpu.memory_space<vmem>>
      %dma_wait3A_426 = tpu.memref_squeeze %dma_wait3A_425 : memref<1x1x80xi32, #tpu.memory_space<vmem>> -> memref<80xi32, #tpu.memory_space<vmem>>
      %dma_wait3A_427 = arith.constant 0 : i32
      %dma_wait3A_428 = arith.constant 0 : i32
      %dma_wait3A_429 = tpu.memref_slice %arg8[%dma_wait3A_427, %dma_wait3A_428] : memref<10240x128xf32, #tpu.memory_space<vmem_shared>> -> memref<10240x128xf32, #tpu.memory_space<vmem_shared>>
      %dma_wait3A_430 = tpu.memref_slice %arg10[%rem3A_418] : memref<4x!tpu.dma_semaphore, #tpu.memory_space<semaphore_mem>> -> memref<1x!tpu.dma_semaphore, #tpu.memory_space<semaphore_mem>>
      %dma_wait3A_431 = tpu.memref_squeeze %dma_wait3A_430 : memref<1x!tpu.dma_semaphore, #tpu.memory_space<semaphore_mem>> -> memref<!tpu.dma_semaphore, #tpu.memory_space<semaphore_mem>>
      tpu.wait_indirect_dma semaphore(%dma_wait3A_431 : memref<!tpu.dma_semaphore, #tpu.memory_space<semaphore_mem>>) src(%dma_wait3A_423 : memref<80x128xf32, #tpu.memory_space<vmem>>) dst(%dma_wait3A_429 : memref<10240x128xf32, #tpu.memory_space<vmem_shared>>)
      %add3A_432 = arith.constant 2 : i32
      %add3A_433 = arith.addi %while3A_415, %add3A_432 : i32
      %rem3A_434 = arith.constant 4 : i32
      %rem3A_435 = arith.remsi %add3A_433, %rem3A_434 : i32
      %mul3A_436 = arith.constant 125 : i32
      %mul3A_437 = arith.muli %add3A, %mul3A_436 : i32
      %add3A_438 = arith.addi %mul3A_437, %add3A_433 : i32
      %mul3A_439 = arith.constant 80 : i32
      %mul3A_440 = arith.muli %add3A_438, %mul3A_439 : i32
      %dma_start3A_441 = arith.constant 0 : i32
      %dma_start3A_442 = arith.constant 0 : i32
      %dma_start3A_443 = tpu.memref_slice %arg6[%rem3A_435, %dma_start3A_441, %dma_start3A_442] : memref<4x80x128xf32, #tpu.memory_space<vmem>> -> memref<1x80x128xf32, #tpu.memory_space<vmem>>
      %dma_start3A_444 = tpu.memref_squeeze %dma_start3A_443 : memref<1x80x128xf32, #tpu.memory_space<vmem>> -> memref<80x128xf32, #tpu.memory_space<vmem>>
      %dma_start3A_445 = arith.constant 0 : i32
      %dma_start3A_446 = tpu.memref_slice %arg2[%mul3A_440, %dma_start3A_445] : memref<320000x128xf32, #tpu.memory_space<hbm>> -> memref<80x128xf32, #tpu.memory_space<hbm>>
      %dma_start3A_447 = tpu.memref_slice %arg9[%rem3A_435] : memref<4x!tpu.dma_semaphore, #tpu.memory_space<semaphore_mem>> -> memref<1x!tpu.dma_semaphore, #tpu.memory_space<semaphore_mem>>
      %dma_start3A_448 = tpu.memref_squeeze %dma_start3A_447 : memref<1x!tpu.dma_semaphore, #tpu.memory_space<semaphore_mem>> -> memref<!tpu.dma_semaphore, #tpu.memory_space<semaphore_mem>>
      %dma_start3A_449 = arith.constant 0 : i32
      %dma_start3A_450 = arith.constant 0 : i32
      %dma_start3A_451 = tpu.memref_slice %arg6[%rem3A_435, %dma_start3A_449, %dma_start3A_450] : memref<4x80x128xf32, #tpu.memory_space<vmem>> -> memref<1x80x128xf32, #tpu.memory_space<vmem>>
      %dma_start3A_452 = tpu.memref_squeeze %dma_start3A_451 : memref<1x80x128xf32, #tpu.memory_space<vmem>> -> memref<80x128xf32, #tpu.memory_space<vmem>>
      %dma_start3A_453 = arith.constant 0 : i32
      %dma_start3A_454 = tpu.memref_slice %arg2[%mul3A_440, %dma_start3A_453] : memref<320000x128xf32, #tpu.memory_space<hbm>> -> memref<80x128xf32, #tpu.memory_space<hbm>>
      tpu.enqueue_dma source(%dma_start3A_454 : memref<80x128xf32, #tpu.memory_space<hbm>>) target(%dma_start3A_452 : memref<80x128xf32, #tpu.memory_space<vmem>>) target_semaphore(%dma_start3A_448 : memref<!tpu.dma_semaphore, #tpu.memory_space<semaphore_mem>>)
      %dma_start3A_455 = arith.constant 0 : i32
      %dma_start3A_456 = arith.constant 0 : i32
      %dma_start3A_457 = tpu.memref_slice %arg7[%rem3A_435, %dma_start3A_455, %dma_start3A_456] : memref<4x1x80xi32, #tpu.memory_space<vmem>> -> memref<1x1x80xi32, #tpu.memory_space<vmem>>
      %dma_start3A_458 = tpu.memref_squeeze %dma_start3A_457 : memref<1x1x80xi32, #tpu.memory_space<vmem>> -> memref<80xi32, #tpu.memory_space<vmem>>
      %dma_start3A_459 = tpu.memref_slice %arg3[%mul3A_440] : memref<320000xi32, #tpu.memory_space<hbm>> -> memref<80xi32, #tpu.memory_space<hbm>>
      %dma_start3A_460 = tpu.memref_slice %arg9[%rem3A_435] : memref<4x!tpu.dma_semaphore, #tpu.memory_space<semaphore_mem>> -> memref<1x!tpu.dma_semaphore, #tpu.memory_space<semaphore_mem>>
      %dma_start3A_461 = tpu.memref_squeeze %dma_start3A_460 : memref<1x!tpu.dma_semaphore, #tpu.memory_space<semaphore_mem>> -> memref<!tpu.dma_semaphore, #tpu.memory_space<semaphore_mem>>
      %dma_start3A_462 = arith.constant 0 : i32
      %dma_start3A_463 = tpu.memref_slice %arg7[%rem3A_435, %dma_start3A_455, %dma_start3A_462] : memref<4x1x80xi32, #tpu.memory_space<vmem>> -> memref<1x1x80xi32, #tpu.memory_space<vmem>>
      %dma_start3A_464 = tpu.memref_squeeze %dma_start3A_463 : memref<1x1x80xi32, #tpu.memory_space<vmem>> -> memref<80xi32, #tpu.memory_space<vmem>>
      %dma_start3A_465 = tpu.memref_slice %arg3[%mul3A_440] : memref<320000xi32, #tpu.memory_space<hbm>> -> memref<80xi32, #tpu.memory_space<hbm>>
      tpu.enqueue_dma source(%dma_start3A_465 : memref<80xi32, #tpu.memory_space<hbm>>) target(%dma_start3A_464 : memref<80xi32, #tpu.memory_space<vmem>>) target_semaphore(%dma_start3A_461 : memref<!tpu.dma_semaphore, #tpu.memory_space<semaphore_mem>>)
      %rem3A_466 = arith.constant 4 : i32
      %rem3A_467 = arith.remsi %while3A_415, %rem3A_466 : i32
      %mul3A_468 = arith.constant 125 : i32
      %mul3A_469 = arith.muli %add3A, %mul3A_468 : i32
      %add3A_470 = arith.addi %mul3A_469, %while3A_415 : i32
      %mul3A_471 = arith.constant 80 : i32
      %mul3A_472 = arith.muli %add3A_470, %mul3A_471 : i32
      %dma_wait3A_473 = arith.constant 0 : i32
      %dma_wait3A_474 = arith.constant 0 : i32
      %dma_wait3A_475 = tpu.memref_slice %arg6[%rem3A_467, %dma_wait3A_473, %dma_wait3A_474] : memref<4x80x128xf32, #tpu.memory_space<vmem>> -> memref<1x80x128xf32, #tpu.memory_space<vmem>>
      %dma_wait3A_476 = tpu.memref_squeeze %dma_wait3A_475 : memref<1x80x128xf32, #tpu.memory_space<vmem>> -> memref<80x128xf32, #tpu.memory_space<vmem>>
      %dma_wait3A_477 = arith.constant 0 : i32
      %dma_wait3A_478 = tpu.memref_slice %arg2[%mul3A_472, %dma_wait3A_477] : memref<320000x128xf32, #tpu.memory_space<hbm>> -> memref<80x128xf32, #tpu.memory_space<hbm>>
      %dma_wait3A_479 = tpu.memref_slice %arg9[%rem3A_467] : memref<4x!tpu.dma_semaphore, #tpu.memory_space<semaphore_mem>> -> memref<1x!tpu.dma_semaphore, #tpu.memory_space<semaphore_mem>>
      %dma_wait3A_480 = tpu.memref_squeeze %dma_wait3A_479 : memref<1x!tpu.dma_semaphore, #tpu.memory_space<semaphore_mem>> -> memref<!tpu.dma_semaphore, #tpu.memory_space<semaphore_mem>>
      %dma_wait3A_481 = arith.constant 0 : i32
      %dma_wait3A_482 = arith.constant 0 : i32
      %dma_wait3A_483 = tpu.memref_slice %arg6[%rem3A_467, %dma_wait3A_481, %dma_wait3A_482] : memref<4x80x128xf32, #tpu.memory_space<vmem>> -> memref<1x80x128xf32, #tpu.memory_space<vmem>>
      %dma_wait3A_484 = tpu.memref_squeeze %dma_wait3A_483 : memref<1x80x128xf32, #tpu.memory_space<vmem>> -> memref<80x128xf32, #tpu.memory_space<vmem>>
      %dma_wait3A_485 = arith.constant 0 : i32
      %dma_wait3A_486 = tpu.memref_slice %arg2[%mul3A_472, %dma_wait3A_485] : memref<320000x128xf32, #tpu.memory_space<hbm>> -> memref<80x128xf32, #tpu.memory_space<hbm>>
      tpu.wait_dma2 semaphore(%dma_wait3A_480 : memref<!tpu.dma_semaphore, #tpu.memory_space<semaphore_mem>>) src(%dma_wait3A_486 : memref<80x128xf32, #tpu.memory_space<hbm>>) dst(%dma_wait3A_484 : memref<80x128xf32, #tpu.memory_space<vmem>>)
      %dma_wait3A_487 = arith.constant 0 : i32
      %dma_wait3A_488 = arith.constant 0 : i32
      %dma_wait3A_489 = tpu.memref_slice %arg7[%rem3A_467, %dma_wait3A_487, %dma_wait3A_488] : memref<4x1x80xi32, #tpu.memory_space<vmem>> -> memref<1x1x80xi32, #tpu.memory_space<vmem>>
      %dma_wait3A_490 = tpu.memref_squeeze %dma_wait3A_489 : memref<1x1x80xi32, #tpu.memory_space<vmem>> -> memref<80xi32, #tpu.memory_space<vmem>>
      %dma_wait3A_491 = tpu.memref_slice %arg3[%mul3A_472] : memref<320000xi32, #tpu.memory_space<hbm>> -> memref<80xi32, #tpu.memory_space<hbm>>
      %dma_wait3A_492 = tpu.memref_slice %arg9[%rem3A_467] : memref<4x!tpu.dma_semaphore, #tpu.memory_space<semaphore_mem>> -> memref<1x!tpu.dma_semaphore, #tpu.memory_space<semaphore_mem>>
      %dma_wait3A_493 = tpu.memref_squeeze %dma_wait3A_492 : memref<1x!tpu.dma_semaphore, #tpu.memory_space<semaphore_mem>> -> memref<!tpu.dma_semaphore, #tpu.memory_space<semaphore_mem>>
      %dma_wait3A_494 = arith.constant 0 : i32
      %dma_wait3A_495 = tpu.memref_slice %arg7[%rem3A_467, %dma_wait3A_487, %dma_wait3A_494] : memref<4x1x80xi32, #tpu.memory_space<vmem>> -> memref<1x1x80xi32, #tpu.memory_space<vmem>>
      %dma_wait3A_496 = tpu.memref_squeeze %dma_wait3A_495 : memref<1x1x80xi32, #tpu.memory_space<vmem>> -> memref<80xi32, #tpu.memory_space<vmem>>
      %dma_wait3A_497 = tpu.memref_slice %arg3[%mul3A_472] : memref<320000xi32, #tpu.memory_space<hbm>> -> memref<80xi32, #tpu.memory_space<hbm>>
      tpu.wait_dma2 semaphore(%dma_wait3A_493 : memref<!tpu.dma_semaphore, #tpu.memory_space<semaphore_mem>>) src(%dma_wait3A_497 : memref<80xi32, #tpu.memory_space<hbm>>) dst(%dma_wait3A_496 : memref<80xi32, #tpu.memory_space<vmem>>)
      %rem3A_498 = arith.constant 4 : i32
      %rem3A_499 = arith.remsi %while3A_415, %rem3A_498 : i32
      %dma_start3A_500 = arith.constant 0 : i32
      %dma_start3A_501 = arith.constant 0 : i32
      %dma_start3A_502 = arith.constant 0 : i32
      %dma_start3A_503 = tpu.memref_slice %arg6[%rem3A_499, %dma_start3A_501, %dma_start3A_502] : memref<4x80x128xf32, #tpu.memory_space<vmem>> -> memref<1x80x128xf32, #tpu.memory_space<vmem>>
      %dma_start3A_504 = tpu.memref_squeeze %dma_start3A_503 : memref<1x80x128xf32, #tpu.memory_space<vmem>> -> memref<80x128xf32, #tpu.memory_space<vmem>>
      %dma_start3A_505 = arith.constant 0 : i32
      %dma_start3A_506 = tpu.memref_slice %arg7[%rem3A_499, %dma_start3A_500, %dma_start3A_505] : memref<4x1x80xi32, #tpu.memory_space<vmem>> -> memref<1x1x80xi32, #tpu.memory_space<vmem>>
      %dma_start3A_507 = tpu.memref_squeeze %dma_start3A_506 : memref<1x1x80xi32, #tpu.memory_space<vmem>> -> memref<80xi32, #tpu.memory_space<vmem>>
      %dma_start3A_508 = arith.constant 0 : i32
      %dma_start3A_509 = arith.constant 0 : i32
      %dma_start3A_510 = tpu.memref_slice %arg8[%dma_start3A_508, %dma_start3A_509] : memref<10240x128xf32, #tpu.memory_space<vmem_shared>> -> memref<10240x128xf32, #tpu.memory_space<vmem_shared>>
      %dma_start3A_511 = tpu.memref_slice %arg10[%rem3A_499] : memref<4x!tpu.dma_semaphore, #tpu.memory_space<semaphore_mem>> -> memref<1x!tpu.dma_semaphore, #tpu.memory_space<semaphore_mem>>
      %dma_start3A_512 = tpu.memref_squeeze %dma_start3A_511 : memref<1x!tpu.dma_semaphore, #tpu.memory_space<semaphore_mem>> -> memref<!tpu.dma_semaphore, #tpu.memory_space<semaphore_mem>>
      tpu.enqueue_indirect_dma source(%dma_start3A_504 : memref<80x128xf32, #tpu.memory_space<vmem>>) target(%dma_start3A_510 : memref<10240x128xf32, #tpu.memory_space<vmem_shared>>) offsets(%dma_start3A_507 : memref<80xi32, #tpu.memory_space<vmem>>) semaphore(%dma_start3A_512 : memref<!tpu.dma_semaphore, #tpu.memory_space<semaphore_mem>>) {add = true}
    }
    %while3A_245 = arith.constant 1 : i32
    scf.for %while3A_415 = %while3A_243 to %while3A_239 step %while3A_245  : i32 {
      %sub3A = arith.constant 2 : i32
      %sub3A_416 = arith.subi %while3A_415, %sub3A : i32
      %rem3A_417 = arith.constant 4 : i32
      %rem3A_418 = arith.remsi %sub3A_416, %rem3A_417 : i32
      %dma_wait3A_419 = arith.constant 0 : i32
      %dma_wait3A_420 = arith.constant 0 : i32
      %dma_wait3A_421 = arith.constant 0 : i32
      %dma_wait3A_422 = tpu.memref_slice %arg6[%rem3A_418, %dma_wait3A_420, %dma_wait3A_421] : memref<4x80x128xf32, #tpu.memory_space<vmem>> -> memref<1x80x128xf32, #tpu.memory_space<vmem>>
      %dma_wait3A_423 = tpu.memref_squeeze %dma_wait3A_422 : memref<1x80x128xf32, #tpu.memory_space<vmem>> -> memref<80x128xf32, #tpu.memory_space<vmem>>
      %dma_wait3A_424 = arith.constant 0 : i32
      %dma_wait3A_425 = tpu.memref_slice %arg7[%rem3A_418, %dma_wait3A_419, %dma_wait3A_424] : memref<4x1x80xi32, #tpu.memory_space<vmem>> -> memref<1x1x80xi32, #tpu.memory_space<vmem>>
      %dma_wait3A_426 = tpu.memref_squeeze %dma_wait3A_425 : memref<1x1x80xi32, #tpu.memory_space<vmem>> -> memref<80xi32, #tpu.memory_space<vmem>>
      %dma_wait3A_427 = arith.constant 0 : i32
      %dma_wait3A_428 = arith.constant 0 : i32
      %dma_wait3A_429 = tpu.memref_slice %arg8[%dma_wait3A_427, %dma_wait3A_428] : memref<10240x128xf32, #tpu.memory_space<vmem_shared>> -> memref<10240x128xf32, #tpu.memory_space<vmem_shared>>
      %dma_wait3A_430 = tpu.memref_slice %arg10[%rem3A_418] : memref<4x!tpu.dma_semaphore, #tpu.memory_space<semaphore_mem>> -> memref<1x!tpu.dma_semaphore, #tpu.memory_space<semaphore_mem>>
      %dma_wait3A_431 = tpu.memref_squeeze %dma_wait3A_430 : memref<1x!tpu.dma_semaphore, #tpu.memory_space<semaphore_mem>> -> memref<!tpu.dma_semaphore, #tpu.memory_space<semaphore_mem>>
      tpu.wait_indirect_dma semaphore(%dma_wait3A_431 : memref<!tpu.dma_semaphore, #tpu.memory_space<semaphore_mem>>) src(%dma_wait3A_423 : memref<80x128xf32, #tpu.memory_space<vmem>>) dst(%dma_wait3A_429 : memref<10240x128xf32, #tpu.memory_space<vmem_shared>>)
      %add3A_432 = arith.constant 2 : i32
      %add3A_433 = arith.addi %while3A_415, %add3A_432 : i32
      %rem3A_434 = arith.constant 4 : i32
      %rem3A_435 = arith.remsi %add3A_433, %rem3A_434 : i32
      %mul3A_436 = arith.constant 125 : i32
      %mul3A_437 = arith.muli %add3A, %mul3A_436 : i32
      %add3A_438 = arith.addi %mul3A_437, %add3A_433 : i32
      %mul3A_439 = arith.constant 80 : i32
      %mul3A_440 = arith.muli %add3A_438, %mul3A_439 : i32
      %dma_start3A_441 = arith.constant 0 : i32
      %dma_start3A_442 = arith.constant 0 : i32
      %dma_start3A_443 = tpu.memref_slice %arg6[%rem3A_435, %dma_start3A_441, %dma_start3A_442] : memref<4x80x128xf32, #tpu.memory_space<vmem>> -> memref<1x80x128xf32, #tpu.memory_space<vmem>>
      %dma_start3A_444 = tpu.memref_squeeze %dma_start3A_443 : memref<1x80x128xf32, #tpu.memory_space<vmem>> -> memref<80x128xf32, #tpu.memory_space<vmem>>
      %dma_start3A_445 = arith.constant 0 : i32
      %dma_start3A_446 = tpu.memref_slice %arg2[%mul3A_440, %dma_start3A_445] : memref<320000x128xf32, #tpu.memory_space<hbm>> -> memref<80x128xf32, #tpu.memory_space<hbm>>
      %dma_start3A_447 = tpu.memref_slice %arg9[%rem3A_435] : memref<4x!tpu.dma_semaphore, #tpu.memory_space<semaphore_mem>> -> memref<1x!tpu.dma_semaphore, #tpu.memory_space<semaphore_mem>>
      %dma_start3A_448 = tpu.memref_squeeze %dma_start3A_447 : memref<1x!tpu.dma_semaphore, #tpu.memory_space<semaphore_mem>> -> memref<!tpu.dma_semaphore, #tpu.memory_space<semaphore_mem>>
      %dma_start3A_449 = arith.constant 0 : i32
      %dma_start3A_450 = arith.constant 0 : i32
      %dma_start3A_451 = tpu.memref_slice %arg6[%rem3A_435, %dma_start3A_449, %dma_start3A_450] : memref<4x80x128xf32, #tpu.memory_space<vmem>> -> memref<1x80x128xf32, #tpu.memory_space<vmem>>
      %dma_start3A_452 = tpu.memref_squeeze %dma_start3A_451 : memref<1x80x128xf32, #tpu.memory_space<vmem>> -> memref<80x128xf32, #tpu.memory_space<vmem>>
      %dma_start3A_453 = arith.constant 0 : i32
      %dma_start3A_454 = tpu.memref_slice %arg2[%mul3A_440, %dma_start3A_453] : memref<320000x128xf32, #tpu.memory_space<hbm>> -> memref<80x128xf32, #tpu.memory_space<hbm>>
      tpu.enqueue_dma source(%dma_start3A_454 : memref<80x128xf32, #tpu.memory_space<hbm>>) target(%dma_start3A_452 : memref<80x128xf32, #tpu.memory_space<vmem>>) target_semaphore(%dma_start3A_448 : memref<!tpu.dma_semaphore, #tpu.memory_space<semaphore_mem>>)
      %dma_start3A_455 = arith.constant 0 : i32
      %dma_start3A_456 = arith.constant 0 : i32
      %dma_start3A_457 = tpu.memref_slice %arg7[%rem3A_435, %dma_start3A_455, %dma_start3A_456] : memref<4x1x80xi32, #tpu.memory_space<vmem>> -> memref<1x1x80xi32, #tpu.memory_space<vmem>>
      %dma_start3A_458 = tpu.memref_squeeze %dma_start3A_457 : memref<1x1x80xi32, #tpu.memory_space<vmem>> -> memref<80xi32, #tpu.memory_space<vmem>>
      %dma_start3A_459 = tpu.memref_slice %arg3[%mul3A_440] : memref<320000xi32, #tpu.memory_space<hbm>> -> memref<80xi32, #tpu.memory_space<hbm>>
      %dma_start3A_460 = tpu.memref_slice %arg9[%rem3A_435] : memref<4x!tpu.dma_semaphore, #tpu.memory_space<semaphore_mem>> -> memref<1x!tpu.dma_semaphore, #tpu.memory_space<semaphore_mem>>
      %dma_start3A_461 = tpu.memref_squeeze %dma_start3A_460 : memref<1x!tpu.dma_semaphore, #tpu.memory_space<semaphore_mem>> -> memref<!tpu.dma_semaphore, #tpu.memory_space<semaphore_mem>>
      %dma_start3A_462 = arith.constant 0 : i32
      %dma_start3A_463 = tpu.memref_slice %arg7[%rem3A_435, %dma_start3A_455, %dma_start3A_462] : memref<4x1x80xi32, #tpu.memory_space<vmem>> -> memref<1x1x80xi32, #tpu.memory_space<vmem>>
      %dma_start3A_464 = tpu.memref_squeeze %dma_start3A_463 : memref<1x1x80xi32, #tpu.memory_space<vmem>> -> memref<80xi32, #tpu.memory_space<vmem>>
      %dma_start3A_465 = tpu.memref_slice %arg3[%mul3A_440] : memref<320000xi32, #tpu.memory_space<hbm>> -> memref<80xi32, #tpu.memory_space<hbm>>
      tpu.enqueue_dma source(%dma_start3A_465 : memref<80xi32, #tpu.memory_space<hbm>>) target(%dma_start3A_464 : memref<80xi32, #tpu.memory_space<vmem>>) target_semaphore(%dma_start3A_461 : memref<!tpu.dma_semaphore, #tpu.memory_space<semaphore_mem>>)
      %rem3A_466 = arith.constant 4 : i32
      %rem3A_467 = arith.remsi %while3A_415, %rem3A_466 : i32
      %mul3A_468 = arith.constant 125 : i32
      %mul3A_469 = arith.muli %add3A, %mul3A_468 : i32
      %add3A_470 = arith.addi %mul3A_469, %while3A_415 : i32
      %mul3A_471 = arith.constant 80 : i32
      %mul3A_472 = arith.muli %add3A_470, %mul3A_471 : i32
      %dma_wait3A_473 = arith.constant 0 : i32
      %dma_wait3A_474 = arith.constant 0 : i32
      %dma_wait3A_475 = tpu.memref_slice %arg6[%rem3A_467, %dma_wait3A_473, %dma_wait3A_474] : memref<4x80x128xf32, #tpu.memory_space<vmem>> -> memref<1x80x128xf32, #tpu.memory_space<vmem>>
      %dma_wait3A_476 = tpu.memref_squeeze %dma_wait3A_475 : memref<1x80x128xf32, #tpu.memory_space<vmem>> -> memref<80x128xf32, #tpu.memory_space<vmem>>
      %dma_wait3A_477 = arith.constant 0 : i32
      %dma_wait3A_478 = tpu.memref_slice %arg2[%mul3A_472, %dma_wait3A_477] : memref<320000x128xf32, #tpu.memory_space<hbm>> -> memref<80x128xf32, #tpu.memory_space<hbm>>
      %dma_wait3A_479 = tpu.memref_slice %arg9[%rem3A_467] : memref<4x!tpu.dma_semaphore, #tpu.memory_space<semaphore_mem>> -> memref<1x!tpu.dma_semaphore, #tpu.memory_space<semaphore_mem>>
      %dma_wait3A_480 = tpu.memref_squeeze %dma_wait3A_479 : memref<1x!tpu.dma_semaphore, #tpu.memory_space<semaphore_mem>> -> memref<!tpu.dma_semaphore, #tpu.memory_space<semaphore_mem>>
      %dma_wait3A_481 = arith.constant 0 : i32
      %dma_wait3A_482 = arith.constant 0 : i32
      %dma_wait3A_483 = tpu.memref_slice %arg6[%rem3A_467, %dma_wait3A_481, %dma_wait3A_482] : memref<4x80x128xf32, #tpu.memory_space<vmem>> -> memref<1x80x128xf32, #tpu.memory_space<vmem>>
      %dma_wait3A_484 = tpu.memref_squeeze %dma_wait3A_483 : memref<1x80x128xf32, #tpu.memory_space<vmem>> -> memref<80x128xf32, #tpu.memory_space<vmem>>
      %dma_wait3A_485 = arith.constant 0 : i32
      %dma_wait3A_486 = tpu.memref_slice %arg2[%mul3A_472, %dma_wait3A_485] : memref<320000x128xf32, #tpu.memory_space<hbm>> -> memref<80x128xf32, #tpu.memory_space<hbm>>
      tpu.wait_dma2 semaphore(%dma_wait3A_480 : memref<!tpu.dma_semaphore, #tpu.memory_space<semaphore_mem>>) src(%dma_wait3A_486 : memref<80x128xf32, #tpu.memory_space<hbm>>) dst(%dma_wait3A_484 : memref<80x128xf32, #tpu.memory_space<vmem>>)
      %dma_wait3A_487 = arith.constant 0 : i32
      %dma_wait3A_488 = arith.constant 0 : i32
      %dma_wait3A_489 = tpu.memref_slice %arg7[%rem3A_467, %dma_wait3A_487, %dma_wait3A_488] : memref<4x1x80xi32, #tpu.memory_space<vmem>> -> memref<1x1x80xi32, #tpu.memory_space<vmem>>
      %dma_wait3A_490 = tpu.memref_squeeze %dma_wait3A_489 : memref<1x1x80xi32, #tpu.memory_space<vmem>> -> memref<80xi32, #tpu.memory_space<vmem>>
      %dma_wait3A_491 = tpu.memref_slice %arg3[%mul3A_472] : memref<320000xi32, #tpu.memory_space<hbm>> -> memref<80xi32, #tpu.memory_space<hbm>>
      %dma_wait3A_492 = tpu.memref_slice %arg9[%rem3A_467] : memref<4x!tpu.dma_semaphore, #tpu.memory_space<semaphore_mem>> -> memref<1x!tpu.dma_semaphore, #tpu.memory_space<semaphore_mem>>
      %dma_wait3A_493 = tpu.memref_squeeze %dma_wait3A_492 : memref<1x!tpu.dma_semaphore, #tpu.memory_space<semaphore_mem>> -> memref<!tpu.dma_semaphore, #tpu.memory_space<semaphore_mem>>
      %dma_wait3A_494 = arith.constant 0 : i32
      %dma_wait3A_495 = tpu.memref_slice %arg7[%rem3A_467, %dma_wait3A_487, %dma_wait3A_494] : memref<4x1x80xi32, #tpu.memory_space<vmem>> -> memref<1x1x80xi32, #tpu.memory_space<vmem>>
      %dma_wait3A_496 = tpu.memref_squeeze %dma_wait3A_495 : memref<1x1x80xi32, #tpu.memory_space<vmem>> -> memref<80xi32, #tpu.memory_space<vmem>>
      %dma_wait3A_497 = tpu.memref_slice %arg3[%mul3A_472] : memref<320000xi32, #tpu.memory_space<hbm>> -> memref<80xi32, #tpu.memory_space<hbm>>
      tpu.wait_dma2 semaphore(%dma_wait3A_493 : memref<!tpu.dma_semaphore, #tpu.memory_space<semaphore_mem>>) src(%dma_wait3A_497 : memref<80xi32, #tpu.memory_space<hbm>>) dst(%dma_wait3A_496 : memref<80xi32, #tpu.memory_space<vmem>>)
      %rem3A_498 = arith.constant 4 : i32
      %rem3A_499 = arith.remsi %while3A_415, %rem3A_498 : i32
      %dma_start3A_500 = arith.constant 0 : i32
      %dma_start3A_501 = arith.constant 0 : i32
      %dma_start3A_502 = arith.constant 0 : i32
      %dma_start3A_503 = tpu.memref_slice %arg6[%rem3A_499, %dma_start3A_501, %dma_start3A_502] : memref<4x80x128xf32, #tpu.memory_space<vmem>> -> memref<1x80x128xf32, #tpu.memory_space<vmem>>
      %dma_start3A_504 = tpu.memref_squeeze %dma_start3A_503 : memref<1x80x128xf32, #tpu.memory_space<vmem>> -> memref<80x128xf32, #tpu.memory_space<vmem>>
      %dma_start3A_505 = arith.constant 0 : i32
      %dma_start3A_506 = tpu.memref_slice %arg7[%rem3A_499, %dma_start3A_500, %dma_start3A_505] : memref<4x1x80xi32, #tpu.memory_space<vmem>> -> memref<1x1x80xi32, #tpu.memory_space<vmem>>
      %dma_start3A_507 = tpu.memref_squeeze %dma_start3A_506 : memref<1x1x80xi32, #tpu.memory_space<vmem>> -> memref<80xi32, #tpu.memory_space<vmem>>
      %dma_start3A_508 = arith.constant 0 : i32
      %dma_start3A_509 = arith.constant 0 : i32
      %dma_start3A_510 = tpu.memref_slice %arg8[%dma_start3A_508, %dma_start3A_509] : memref<10240x128xf32, #tpu.memory_space<vmem_shared>> -> memref<10240x128xf32, #tpu.memory_space<vmem_shared>>
      %dma_start3A_511 = tpu.memref_slice %arg10[%rem3A_499] : memref<4x!tpu.dma_semaphore, #tpu.memory_space<semaphore_mem>> -> memref<1x!tpu.dma_semaphore, #tpu.memory_space<semaphore_mem>>
      %dma_start3A_512 = tpu.memref_squeeze %dma_start3A_511 : memref<1x!tpu.dma_semaphore, #tpu.memory_space<semaphore_mem>> -> memref<!tpu.dma_semaphore, #tpu.memory_space<semaphore_mem>>
      tpu.enqueue_indirect_dma source(%dma_start3A_504 : memref<80x128xf32, #tpu.memory_space<vmem>>) target(%dma_start3A_510 : memref<10240x128xf32, #tpu.memory_space<vmem_shared>>) offsets(%dma_start3A_507 : memref<80xi32, #tpu.memory_space<vmem>>) semaphore(%dma_start3A_512 : memref<!tpu.dma_semaphore, #tpu.memory_space<semaphore_mem>>) {add = true}
    }
    %rem3A_246 = arith.constant 121 : i32
    %rem3A_247 = arith.constant 4 : i32
    %rem3A_248 = arith.remsi %rem3A_246, %rem3A_247 : i32
    %dma_wait3A_249 = arith.constant 0 : i32
    %dma_wait3A_250 = arith.constant 0 : i32
    %dma_wait3A_251 = arith.constant 0 : i32
    %dma_wait3A_252 = tpu.memref_slice %arg6[%rem3A_248, %dma_wait3A_250, %dma_wait3A_251] : memref<4x80x128xf32, #tpu.memory_space<vmem>> -> memref<1x80x128xf32, #tpu.memory_space<vmem>>
    %dma_wait3A_253 = tpu.memref_squeeze %dma_wait3A_252 : memref<1x80x128xf32, #tpu.memory_space<vmem>> -> memref<80x128xf32, #tpu.memory_space<vmem>>
    %dma_wait3A_254 = arith.constant 0 : i32
    %dma_wait3A_255 = tpu.memref_slice %arg7[%rem3A_248, %dma_wait3A_249, %dma_wait3A_254] : memref<4x1x80xi32, #tpu.memory_space<vmem>> -> memref<1x1x80xi32, #tpu.memory_space<vmem>>
    %dma_wait3A_256 = tpu.memref_squeeze %dma_wait3A_255 : memref<1x1x80xi32, #tpu.memory_space<vmem>> -> memref<80xi32, #tpu.memory_space<vmem>>
    %dma_wait3A_257 = arith.constant 0 : i32
    %dma_wait3A_258 = arith.constant 0 : i32
    %dma_wait3A_259 = tpu.memref_slice %arg8[%dma_wait3A_257, %dma_wait3A_258] : memref<10240x128xf32, #tpu.memory_space<vmem_shared>> -> memref<10240x128xf32, #tpu.memory_space<vmem_shared>>
    %dma_wait3A_260 = tpu.memref_slice %arg10[%rem3A_248] : memref<4x!tpu.dma_semaphore, #tpu.memory_space<semaphore_mem>> -> memref<1x!tpu.dma_semaphore, #tpu.memory_space<semaphore_mem>>
    %dma_wait3A_261 = tpu.memref_squeeze %dma_wait3A_260 : memref<1x!tpu.dma_semaphore, #tpu.memory_space<semaphore_mem>> -> memref<!tpu.dma_semaphore, #tpu.memory_space<semaphore_mem>>
    tpu.wait_indirect_dma semaphore(%dma_wait3A_261 : memref<!tpu.dma_semaphore, #tpu.memory_space<semaphore_mem>>) src(%dma_wait3A_253 : memref<80x128xf32, #tpu.memory_space<vmem>>) dst(%dma_wait3A_259 : memref<10240x128xf32, #tpu.memory_space<vmem_shared>>)
    %rem3A_262 = arith.constant 123 : i32
    %rem3A_263 = arith.constant 4 : i32
    %rem3A_264 = arith.remsi %rem3A_262, %rem3A_263 : i32
    %mul3A_265 = arith.constant 125 : i32
    %mul3A_266 = arith.muli %add3A, %mul3A_265 : i32
    %add3A_267 = arith.constant 123 : i32
    %add3A_268 = arith.addi %mul3A_266, %add3A_267 : i32
    %mul3A_269 = arith.constant 80 : i32
    %mul3A_270 = arith.muli %add3A_268, %mul3A_269 : i32
    %dma_wait3A_271 = arith.constant 0 : i32
    %dma_wait3A_272 = arith.constant 0 : i32
    %dma_wait3A_273 = tpu.memref_slice %arg6[%rem3A_264, %dma_wait3A_271, %dma_wait3A_272] : memref<4x80x128xf32, #tpu.memory_space<vmem>> -> memref<1x80x128xf32, #tpu.memory_space<vmem>>
    %dma_wait3A_274 = tpu.memref_squeeze %dma_wait3A_273 : memref<1x80x128xf32, #tpu.memory_space<vmem>> -> memref<80x128xf32, #tpu.memory_space<vmem>>
    %dma_wait3A_275 = arith.constant 0 : i32
    %dma_wait3A_276 = tpu.memref_slice %arg2[%mul3A_270, %dma_wait3A_275] : memref<320000x128xf32, #tpu.memory_space<hbm>> -> memref<80x128xf32, #tpu.memory_space<hbm>>
    %dma_wait3A_277 = tpu.memref_slice %arg9[%rem3A_264] : memref<4x!tpu.dma_semaphore, #tpu.memory_space<semaphore_mem>> -> memref<1x!tpu.dma_semaphore, #tpu.memory_space<semaphore_mem>>
    %dma_wait3A_278 = tpu.memref_squeeze %dma_wait3A_277 : memref<1x!tpu.dma_semaphore, #tpu.memory_space<semaphore_mem>> -> memref<!tpu.dma_semaphore, #tpu.memory_space<semaphore_mem>>
    %dma_wait3A_279 = arith.constant 0 : i32
    %dma_wait3A_280 = arith.constant 0 : i32
    %dma_wait3A_281 = tpu.memref_slice %arg6[%rem3A_264, %dma_wait3A_279, %dma_wait3A_280] : memref<4x80x128xf32, #tpu.memory_space<vmem>> -> memref<1x80x128xf32, #tpu.memory_space<vmem>>
    %dma_wait3A_282 = tpu.memref_squeeze %dma_wait3A_281 : memref<1x80x128xf32, #tpu.memory_space<vmem>> -> memref<80x128xf32, #tpu.memory_space<vmem>>
    %dma_wait3A_283 = arith.constant 0 : i32
    %dma_wait3A_284 = tpu.memref_slice %arg2[%mul3A_270, %dma_wait3A_283] : memref<320000x128xf32, #tpu.memory_space<hbm>> -> memref<80x128xf32, #tpu.memory_space<hbm>>
    tpu.wait_dma2 semaphore(%dma_wait3A_278 : memref<!tpu.dma_semaphore, #tpu.memory_space<semaphore_mem>>) src(%dma_wait3A_284 : memref<80x128xf32, #tpu.memory_space<hbm>>) dst(%dma_wait3A_282 : memref<80x128xf32, #tpu.memory_space<vmem>>)
    %dma_wait3A_285 = arith.constant 0 : i32
    %dma_wait3A_286 = arith.constant 0 : i32
    %dma_wait3A_287 = tpu.memref_slice %arg7[%rem3A_264, %dma_wait3A_285, %dma_wait3A_286] : memref<4x1x80xi32, #tpu.memory_space<vmem>> -> memref<1x1x80xi32, #tpu.memory_space<vmem>>
    %dma_wait3A_288 = tpu.memref_squeeze %dma_wait3A_287 : memref<1x1x80xi32, #tpu.memory_space<vmem>> -> memref<80xi32, #tpu.memory_space<vmem>>
    %dma_wait3A_289 = tpu.memref_slice %arg3[%mul3A_270] : memref<320000xi32, #tpu.memory_space<hbm>> -> memref<80xi32, #tpu.memory_space<hbm>>
    %dma_wait3A_290 = tpu.memref_slice %arg9[%rem3A_264] : memref<4x!tpu.dma_semaphore, #tpu.memory_space<semaphore_mem>> -> memref<1x!tpu.dma_semaphore, #tpu.memory_space<semaphore_mem>>
    %dma_wait3A_291 = tpu.memref_squeeze %dma_wait3A_290 : memref<1x!tpu.dma_semaphore, #tpu.memory_space<semaphore_mem>> -> memref<!tpu.dma_semaphore, #tpu.memory_space<semaphore_mem>>
    %dma_wait3A_292 = arith.constant 0 : i32
    %dma_wait3A_293 = tpu.memref_slice %arg7[%rem3A_264, %dma_wait3A_285, %dma_wait3A_292] : memref<4x1x80xi32, #tpu.memory_space<vmem>> -> memref<1x1x80xi32, #tpu.memory_space<vmem>>
    %dma_wait3A_294 = tpu.memref_squeeze %dma_wait3A_293 : memref<1x1x80xi32, #tpu.memory_space<vmem>> -> memref<80xi32, #tpu.memory_space<vmem>>
    %dma_wait3A_295 = tpu.memref_slice %arg3[%mul3A_270] : memref<320000xi32, #tpu.memory_space<hbm>> -> memref<80xi32, #tpu.memory_space<hbm>>
    tpu.wait_dma2 semaphore(%dma_wait3A_291 : memref<!tpu.dma_semaphore, #tpu.memory_space<semaphore_mem>>) src(%dma_wait3A_295 : memref<80xi32, #tpu.memory_space<hbm>>) dst(%dma_wait3A_294 : memref<80xi32, #tpu.memory_space<vmem>>)
    %rem3A_296 = arith.constant 123 : i32
    %rem3A_297 = arith.constant 4 : i32
    %rem3A_298 = arith.remsi %rem3A_296, %rem3A_297 : i32
    %dma_start3A_299 = arith.constant 0 : i32
    %dma_start3A_300 = arith.constant 0 : i32
    %dma_start3A_301 = arith.constant 0 : i32
    %dma_start3A_302 = tpu.memref_slice %arg6[%rem3A_298, %dma_start3A_300, %dma_start3A_301] : memref<4x80x128xf32, #tpu.memory_space<vmem>> -> memref<1x80x128xf32, #tpu.memory_space<vmem>>
    %dma_start3A_303 = tpu.memref_squeeze %dma_start3A_302 : memref<1x80x128xf32, #tpu.memory_space<vmem>> -> memref<80x128xf32, #tpu.memory_space<vmem>>
    %dma_start3A_304 = arith.constant 0 : i32
    %dma_start3A_305 = tpu.memref_slice %arg7[%rem3A_298, %dma_start3A_299, %dma_start3A_304] : memref<4x1x80xi32, #tpu.memory_space<vmem>> -> memref<1x1x80xi32, #tpu.memory_space<vmem>>
    %dma_start3A_306 = tpu.memref_squeeze %dma_start3A_305 : memref<1x1x80xi32, #tpu.memory_space<vmem>> -> memref<80xi32, #tpu.memory_space<vmem>>
    %dma_start3A_307 = arith.constant 0 : i32
    %dma_start3A_308 = arith.constant 0 : i32
    %dma_start3A_309 = tpu.memref_slice %arg8[%dma_start3A_307, %dma_start3A_308] : memref<10240x128xf32, #tpu.memory_space<vmem_shared>> -> memref<10240x128xf32, #tpu.memory_space<vmem_shared>>
    %dma_start3A_310 = tpu.memref_slice %arg10[%rem3A_298] : memref<4x!tpu.dma_semaphore, #tpu.memory_space<semaphore_mem>> -> memref<1x!tpu.dma_semaphore, #tpu.memory_space<semaphore_mem>>
    %dma_start3A_311 = tpu.memref_squeeze %dma_start3A_310 : memref<1x!tpu.dma_semaphore, #tpu.memory_space<semaphore_mem>> -> memref<!tpu.dma_semaphore, #tpu.memory_space<semaphore_mem>>
    tpu.enqueue_indirect_dma source(%dma_start3A_303 : memref<80x128xf32, #tpu.memory_space<vmem>>) target(%dma_start3A_309 : memref<10240x128xf32, #tpu.memory_space<vmem_shared>>) offsets(%dma_start3A_306 : memref<80xi32, #tpu.memory_space<vmem>>) semaphore(%dma_start3A_311 : memref<!tpu.dma_semaphore, #tpu.memory_space<semaphore_mem>>) {add = true}
    %rem3A_312 = arith.constant 122 : i32
    %rem3A_313 = arith.constant 4 : i32
    %rem3A_314 = arith.remsi %rem3A_312, %rem3A_313 : i32
    %dma_wait3A_315 = arith.constant 0 : i32
    %dma_wait3A_316 = arith.constant 0 : i32
    %dma_wait3A_317 = arith.constant 0 : i32
    %dma_wait3A_318 = tpu.memref_slice %arg6[%rem3A_314, %dma_wait3A_316, %dma_wait3A_317] : memref<4x80x128xf32, #tpu.memory_space<vmem>> -> memref<1x80x128xf32, #tpu.memory_space<vmem>>
    %dma_wait3A_319 = tpu.memref_squeeze %dma_wait3A_318 : memref<1x80x128xf32, #tpu.memory_space<vmem>> -> memref<80x128xf32, #tpu.memory_space<vmem>>
    %dma_wait3A_320 = arith.constant 0 : i32
    %dma_wait3A_321 = tpu.memref_slice %arg7[%rem3A_314, %dma_wait3A_315, %dma_wait3A_320] : memref<4x1x80xi32, #tpu.memory_space<vmem>> -> memref<1x1x80xi32, #tpu.memory_space<vmem>>
    %dma_wait3A_322 = tpu.memref_squeeze %dma_wait3A_321 : memref<1x1x80xi32, #tpu.memory_space<vmem>> -> memref<80xi32, #tpu.memory_space<vmem>>
    %dma_wait3A_323 = arith.constant 0 : i32
    %dma_wait3A_324 = arith.constant 0 : i32
    %dma_wait3A_325 = tpu.memref_slice %arg8[%dma_wait3A_323, %dma_wait3A_324] : memref<10240x128xf32, #tpu.memory_space<vmem_shared>> -> memref<10240x128xf32, #tpu.memory_space<vmem_shared>>
    %dma_wait3A_326 = tpu.memref_slice %arg10[%rem3A_314] : memref<4x!tpu.dma_semaphore, #tpu.memory_space<semaphore_mem>> -> memref<1x!tpu.dma_semaphore, #tpu.memory_space<semaphore_mem>>
    %dma_wait3A_327 = tpu.memref_squeeze %dma_wait3A_326 : memref<1x!tpu.dma_semaphore, #tpu.memory_space<semaphore_mem>> -> memref<!tpu.dma_semaphore, #tpu.memory_space<semaphore_mem>>
    tpu.wait_indirect_dma semaphore(%dma_wait3A_327 : memref<!tpu.dma_semaphore, #tpu.memory_space<semaphore_mem>>) src(%dma_wait3A_319 : memref<80x128xf32, #tpu.memory_space<vmem>>) dst(%dma_wait3A_325 : memref<10240x128xf32, #tpu.memory_space<vmem_shared>>)
    %rem3A_328 = arith.constant 124 : i32
    %rem3A_329 = arith.constant 4 : i32
    %rem3A_330 = arith.remsi %rem3A_328, %rem3A_329 : i32
    %mul3A_331 = arith.constant 125 : i32
    %mul3A_332 = arith.muli %add3A, %mul3A_331 : i32
    %add3A_333 = arith.constant 124 : i32
    %add3A_334 = arith.addi %mul3A_332, %add3A_333 : i32
    %mul3A_335 = arith.constant 80 : i32
    %mul3A_336 = arith.muli %add3A_334, %mul3A_335 : i32
    %dma_wait3A_337 = arith.constant 0 : i32
    %dma_wait3A_338 = arith.constant 0 : i32
    %dma_wait3A_339 = tpu.memref_slice %arg6[%rem3A_330, %dma_wait3A_337, %dma_wait3A_338] : memref<4x80x128xf32, #tpu.memory_space<vmem>> -> memref<1x80x128xf32, #tpu.memory_space<vmem>>
    %dma_wait3A_340 = tpu.memref_squeeze %dma_wait3A_339 : memref<1x80x128xf32, #tpu.memory_space<vmem>> -> memref<80x128xf32, #tpu.memory_space<vmem>>
    %dma_wait3A_341 = arith.constant 0 : i32
    %dma_wait3A_342 = tpu.memref_slice %arg2[%mul3A_336, %dma_wait3A_341] : memref<320000x128xf32, #tpu.memory_space<hbm>> -> memref<80x128xf32, #tpu.memory_space<hbm>>
    %dma_wait3A_343 = tpu.memref_slice %arg9[%rem3A_330] : memref<4x!tpu.dma_semaphore, #tpu.memory_space<semaphore_mem>> -> memref<1x!tpu.dma_semaphore, #tpu.memory_space<semaphore_mem>>
    %dma_wait3A_344 = tpu.memref_squeeze %dma_wait3A_343 : memref<1x!tpu.dma_semaphore, #tpu.memory_space<semaphore_mem>> -> memref<!tpu.dma_semaphore, #tpu.memory_space<semaphore_mem>>
    %dma_wait3A_345 = arith.constant 0 : i32
    %dma_wait3A_346 = arith.constant 0 : i32
    %dma_wait3A_347 = tpu.memref_slice %arg6[%rem3A_330, %dma_wait3A_345, %dma_wait3A_346] : memref<4x80x128xf32, #tpu.memory_space<vmem>> -> memref<1x80x128xf32, #tpu.memory_space<vmem>>
    %dma_wait3A_348 = tpu.memref_squeeze %dma_wait3A_347 : memref<1x80x128xf32, #tpu.memory_space<vmem>> -> memref<80x128xf32, #tpu.memory_space<vmem>>
    %dma_wait3A_349 = arith.constant 0 : i32
    %dma_wait3A_350 = tpu.memref_slice %arg2[%mul3A_336, %dma_wait3A_349] : memref<320000x128xf32, #tpu.memory_space<hbm>> -> memref<80x128xf32, #tpu.memory_space<hbm>>
    tpu.wait_dma2 semaphore(%dma_wait3A_344 : memref<!tpu.dma_semaphore, #tpu.memory_space<semaphore_mem>>) src(%dma_wait3A_350 : memref<80x128xf32, #tpu.memory_space<hbm>>) dst(%dma_wait3A_348 : memref<80x128xf32, #tpu.memory_space<vmem>>)
    %dma_wait3A_351 = arith.constant 0 : i32
    %dma_wait3A_352 = arith.constant 0 : i32
    %dma_wait3A_353 = tpu.memref_slice %arg7[%rem3A_330, %dma_wait3A_351, %dma_wait3A_352] : memref<4x1x80xi32, #tpu.memory_space<vmem>> -> memref<1x1x80xi32, #tpu.memory_space<vmem>>
    %dma_wait3A_354 = tpu.memref_squeeze %dma_wait3A_353 : memref<1x1x80xi32, #tpu.memory_space<vmem>> -> memref<80xi32, #tpu.memory_space<vmem>>
    %dma_wait3A_355 = tpu.memref_slice %arg3[%mul3A_336] : memref<320000xi32, #tpu.memory_space<hbm>> -> memref<80xi32, #tpu.memory_space<hbm>>
    %dma_wait3A_356 = tpu.memref_slice %arg9[%rem3A_330] : memref<4x!tpu.dma_semaphore, #tpu.memory_space<semaphore_mem>> -> memref<1x!tpu.dma_semaphore, #tpu.memory_space<semaphore_mem>>
    %dma_wait3A_357 = tpu.memref_squeeze %dma_wait3A_356 : memref<1x!tpu.dma_semaphore, #tpu.memory_space<semaphore_mem>> -> memref<!tpu.dma_semaphore, #tpu.memory_space<semaphore_mem>>
    %dma_wait3A_358 = arith.constant 0 : i32
    %dma_wait3A_359 = tpu.memref_slice %arg7[%rem3A_330, %dma_wait3A_351, %dma_wait3A_358] : memref<4x1x80xi32, #tpu.memory_space<vmem>> -> memref<1x1x80xi32, #tpu.memory_space<vmem>>
    %dma_wait3A_360 = tpu.memref_squeeze %dma_wait3A_359 : memref<1x1x80xi32, #tpu.memory_space<vmem>> -> memref<80xi32, #tpu.memory_space<vmem>>
    %dma_wait3A_361 = tpu.memref_slice %arg3[%mul3A_336] : memref<320000xi32, #tpu.memory_space<hbm>> -> memref<80xi32, #tpu.memory_space<hbm>>
    tpu.wait_dma2 semaphore(%dma_wait3A_357 : memref<!tpu.dma_semaphore, #tpu.memory_space<semaphore_mem>>) src(%dma_wait3A_361 : memref<80xi32, #tpu.memory_space<hbm>>) dst(%dma_wait3A_360 : memref<80xi32, #tpu.memory_space<vmem>>)
    %rem3A_362 = arith.constant 124 : i32
    %rem3A_363 = arith.constant 4 : i32
    %rem3A_364 = arith.remsi %rem3A_362, %rem3A_363 : i32
    %dma_start3A_365 = arith.constant 0 : i32
    %dma_start3A_366 = arith.constant 0 : i32
    %dma_start3A_367 = arith.constant 0 : i32
    %dma_start3A_368 = tpu.memref_slice %arg6[%rem3A_364, %dma_start3A_366, %dma_start3A_367] : memref<4x80x128xf32, #tpu.memory_space<vmem>> -> memref<1x80x128xf32, #tpu.memory_space<vmem>>
    %dma_start3A_369 = tpu.memref_squeeze %dma_start3A_368 : memref<1x80x128xf32, #tpu.memory_space<vmem>> -> memref<80x128xf32, #tpu.memory_space<vmem>>
    %dma_start3A_370 = arith.constant 0 : i32
    %dma_start3A_371 = tpu.memref_slice %arg7[%rem3A_364, %dma_start3A_365, %dma_start3A_370] : memref<4x1x80xi32, #tpu.memory_space<vmem>> -> memref<1x1x80xi32, #tpu.memory_space<vmem>>
    %dma_start3A_372 = tpu.memref_squeeze %dma_start3A_371 : memref<1x1x80xi32, #tpu.memory_space<vmem>> -> memref<80xi32, #tpu.memory_space<vmem>>
    %dma_start3A_373 = arith.constant 0 : i32
    %dma_start3A_374 = arith.constant 0 : i32
    %dma_start3A_375 = tpu.memref_slice %arg8[%dma_start3A_373, %dma_start3A_374] : memref<10240x128xf32, #tpu.memory_space<vmem_shared>> -> memref<10240x128xf32, #tpu.memory_space<vmem_shared>>
    %dma_start3A_376 = tpu.memref_slice %arg10[%rem3A_364] : memref<4x!tpu.dma_semaphore, #tpu.memory_space<semaphore_mem>> -> memref<1x!tpu.dma_semaphore, #tpu.memory_space<semaphore_mem>>
    %dma_start3A_377 = tpu.memref_squeeze %dma_start3A_376 : memref<1x!tpu.dma_semaphore, #tpu.memory_space<semaphore_mem>> -> memref<!tpu.dma_semaphore, #tpu.memory_space<semaphore_mem>>
    tpu.enqueue_indirect_dma source(%dma_start3A_369 : memref<80x128xf32, #tpu.memory_space<vmem>>) target(%dma_start3A_375 : memref<10240x128xf32, #tpu.memory_space<vmem_shared>>) offsets(%dma_start3A_372 : memref<80xi32, #tpu.memory_space<vmem>>) semaphore(%dma_start3A_377 : memref<!tpu.dma_semaphore, #tpu.memory_space<semaphore_mem>>) {add = true}
    %rem3A_378 = arith.constant 123 : i32
    %rem3A_379 = arith.constant 4 : i32
    %rem3A_380 = arith.remsi %rem3A_378, %rem3A_379 : i32
    %dma_wait3A_381 = arith.constant 0 : i32
    %dma_wait3A_382 = arith.constant 0 : i32
    %dma_wait3A_383 = arith.constant 0 : i32
    %dma_wait3A_384 = tpu.memref_slice %arg6[%rem3A_380, %dma_wait3A_382, %dma_wait3A_383] : memref<4x80x128xf32, #tpu.memory_space<vmem>> -> memref<1x80x128xf32, #tpu.memory_space<vmem>>
    %dma_wait3A_385 = tpu.memref_squeeze %dma_wait3A_384 : memref<1x80x128xf32, #tpu.memory_space<vmem>> -> memref<80x128xf32, #tpu.memory_space<vmem>>
    %dma_wait3A_386 = arith.constant 0 : i32
    %dma_wait3A_387 = tpu.memref_slice %arg7[%rem3A_380, %dma_wait3A_381, %dma_wait3A_386] : memref<4x1x80xi32, #tpu.memory_space<vmem>> -> memref<1x1x80xi32, #tpu.memory_space<vmem>>
    %dma_wait3A_388 = tpu.memref_squeeze %dma_wait3A_387 : memref<1x1x80xi32, #tpu.memory_space<vmem>> -> memref<80xi32, #tpu.memory_space<vmem>>
    %dma_wait3A_389 = arith.constant 0 : i32
    %dma_wait3A_390 = arith.constant 0 : i32
    %dma_wait3A_391 = tpu.memref_slice %arg8[%dma_wait3A_389, %dma_wait3A_390] : memref<10240x128xf32, #tpu.memory_space<vmem_shared>> -> memref<10240x128xf32, #tpu.memory_space<vmem_shared>>
    %dma_wait3A_392 = tpu.memref_slice %arg10[%rem3A_380] : memref<4x!tpu.dma_semaphore, #tpu.memory_space<semaphore_mem>> -> memref<1x!tpu.dma_semaphore, #tpu.memory_space<semaphore_mem>>
    %dma_wait3A_393 = tpu.memref_squeeze %dma_wait3A_392 : memref<1x!tpu.dma_semaphore, #tpu.memory_space<semaphore_mem>> -> memref<!tpu.dma_semaphore, #tpu.memory_space<semaphore_mem>>
    tpu.wait_indirect_dma semaphore(%dma_wait3A_393 : memref<!tpu.dma_semaphore, #tpu.memory_space<semaphore_mem>>) src(%dma_wait3A_385 : memref<80x128xf32, #tpu.memory_space<vmem>>) dst(%dma_wait3A_391 : memref<10240x128xf32, #tpu.memory_space<vmem_shared>>)
    %rem3A_394 = arith.constant 124 : i32
    %rem3A_395 = arith.constant 4 : i32
    %rem3A_396 = arith.remsi %rem3A_394, %rem3A_395 : i32
    %dma_wait3A_397 = arith.constant 0 : i32
    %dma_wait3A_398 = arith.constant 0 : i32
    %dma_wait3A_399 = arith.constant 0 : i32
    %dma_wait3A_400 = tpu.memref_slice %arg6[%rem3A_396, %dma_wait3A_398, %dma_wait3A_399] : memref<4x80x128xf32, #tpu.memory_space<vmem>> -> memref<1x80x128xf32, #tpu.memory_space<vmem>>
    %dma_wait3A_401 = tpu.memref_squeeze %dma_wait3A_400 : memref<1x80x128xf32, #tpu.memory_space<vmem>> -> memref<80x128xf32, #tpu.memory_space<vmem>>
    %dma_wait3A_402 = arith.constant 0 : i32
    %dma_wait3A_403 = tpu.memref_slice %arg7[%rem3A_396, %dma_wait3A_397, %dma_wait3A_402] : memref<4x1x80xi32, #tpu.memory_space<vmem>> -> memref<1x1x80xi32, #tpu.memory_space<vmem>>
    %dma_wait3A_404 = tpu.memref_squeeze %dma_wait3A_403 : memref<1x1x80xi32, #tpu.memory_space<vmem>> -> memref<80xi32, #tpu.memory_space<vmem>>
    %dma_wait3A_405 = arith.constant 0 : i32
    %dma_wait3A_406 = arith.constant 0 : i32
    %dma_wait3A_407 = tpu.memref_slice %arg8[%dma_wait3A_405, %dma_wait3A_406] : memref<10240x128xf32, #tpu.memory_space<vmem_shared>> -> memref<10240x128xf32, #tpu.memory_space<vmem_shared>>
    %dma_wait3A_408 = tpu.memref_slice %arg10[%rem3A_396] : memref<4x!tpu.dma_semaphore, #tpu.memory_space<semaphore_mem>> -> memref<1x!tpu.dma_semaphore, #tpu.memory_space<semaphore_mem>>
    %dma_wait3A_409 = tpu.memref_squeeze %dma_wait3A_408 : memref<1x!tpu.dma_semaphore, #tpu.memory_space<semaphore_mem>> -> memref<!tpu.dma_semaphore, #tpu.memory_space<semaphore_mem>>
    tpu.wait_indirect_dma semaphore(%dma_wait3A_409 : memref<!tpu.dma_semaphore, #tpu.memory_space<semaphore_mem>>) src(%dma_wait3A_401 : memref<80x128xf32, #tpu.memory_space<vmem>>) dst(%dma_wait3A_407 : memref<10240x128xf32, #tpu.memory_space<vmem_shared>>)
    %barrier3A_410 = arith.constant 0 : index
    tpu.barrier barrier_id(%barrier3A_410)
    %mul3A_411 = arith.constant 640 : i32
    %mul3A_412 = arith.muli %arg1, %mul3A_411 : i32
    %mul3A_413 = arith.constant 640 : i32
    %mul3A_414 = arith.muli %arg1, %mul3A_413 : i32
    "tpu.region"() ({
      %run_scoped3A = tpu.sem_alloc : memref<!tpu.dma_semaphore, #tpu.memory_space<semaphore_mem>>
      %dma_start3A_415 = arith.constant 0 : i32
      %dma_start3A_416 = tpu.memref_slice %arg5[%arg0, %mul3A_414, %dma_start3A_415] : memref<2x10240x128xf32, #tpu.memory_space<hbm>> -> memref<1x640x128xf32, #tpu.memory_space<hbm>>
      %dma_start3A_417 = tpu.memref_squeeze %dma_start3A_416 : memref<1x640x128xf32, #tpu.memory_space<hbm>> -> memref<640x128xf32, #tpu.memory_space<hbm>>
      %dma_start3A_418 = arith.constant 0 : i32
      %dma_start3A_419 = tpu.memref_slice %arg8[%mul3A_412, %dma_start3A_418] : memref<10240x128xf32, #tpu.memory_space<vmem_shared>> -> memref<640x128xf32, #tpu.memory_space<vmem_shared>>
      tpu.enqueue_dma source(%dma_start3A_419 : memref<640x128xf32, #tpu.memory_space<vmem_shared>>) target(%dma_start3A_417 : memref<640x128xf32, #tpu.memory_space<hbm>>) target_semaphore(%run_scoped3A : memref<!tpu.dma_semaphore, #tpu.memory_space<semaphore_mem>>)
      %dma_wait3A_420 = arith.constant 0 : i32
      %dma_wait3A_421 = tpu.memref_slice %arg5[%arg0, %mul3A_414, %dma_wait3A_420] : memref<2x10240x128xf32, #tpu.memory_space<hbm>> -> memref<1x640x128xf32, #tpu.memory_space<hbm>>
      %dma_wait3A_422 = tpu.memref_squeeze %dma_wait3A_421 : memref<1x640x128xf32, #tpu.memory_space<hbm>> -> memref<640x128xf32, #tpu.memory_space<hbm>>
      %dma_wait3A_423 = arith.constant 0 : i32
      %dma_wait3A_424 = tpu.memref_slice %arg8[%mul3A_412, %dma_wait3A_423] : memref<10240x128xf32, #tpu.memory_space<vmem_shared>> -> memref<640x128xf32, #tpu.memory_space<vmem_shared>>
      tpu.wait_dma2 semaphore(%run_scoped3A : memref<!tpu.dma_semaphore, #tpu.memory_space<semaphore_mem>>) src(%dma_wait3A_424 : memref<640x128xf32, #tpu.memory_space<vmem_shared>>) dst(%dma_wait3A_422 : memref<640x128xf32, #tpu.memory_space<hbm>>)
      tpu.yield
    }) : () -> ()
    return
  }
}

module attributes {stable_mosaic.version = 14 : i64} {
  func.func @_combine_kernel(%arg0: i32, %arg1: memref<2x2000x128xf32, #tpu.memory_space<vmem>>, %arg2: memref<2000x1xf32, #tpu.memory_space<vmem>>, %arg3: memref<2000x128xf32, #tpu.memory_space<vmem>>) attributes {dimension_semantics = [#tpu.dimension_semantics<arbitrary>], iteration_bounds = array<i64: 5>, scalar_prefetch = 0 : i64, scratch_operands = 0 : i64, tpu.core_type = #tpu.core_type<tc>, window_params = [{transform_indices = @transform_0, window_bounds = array<i64: 2, 2000, 128>}, {transform_indices = @transform_1, window_bounds = array<i64: 2000, 1>}, {transform_indices = @transform_2, window_bounds = array<i64: 2000, 128>}]} {
    %get3A = arith.constant 0 : index
    %get3A_0 = arith.constant 0 : index
    %get3A_1 = arith.constant 0 : index
    %get3A_2 = vector.load %arg1[%get3A, %get3A_0, %get3A_1] : memref<2x2000x128xf32, #tpu.memory_space<vmem>>, vector<1x2000x128xf32>
    %get3A_3 = vector.shape_cast %get3A_2 : vector<1x2000x128xf32> to vector<2000x128xf32>
    %get3A_4 = arith.constant 1 : index
    %get3A_5 = arith.constant 0 : index
    %get3A_6 = arith.constant 0 : index
    %get3A_7 = vector.load %arg1[%get3A_4, %get3A_5, %get3A_6] : memref<2x2000x128xf32, #tpu.memory_space<vmem>>, vector<1x2000x128xf32>
    %get3A_8 = vector.shape_cast %get3A_7 : vector<1x2000x128xf32> to vector<2000x128xf32>
    %add3A = arith.addf %get3A_3, %get3A_8 : vector<2000x128xf32>
    %get3A_9 = arith.constant 0 : index
    %get3A_10 = arith.constant 0 : index
    %get3A_11 = vector.load %arg2[%get3A_9, %get3A_10] : memref<2000x1xf32, #tpu.memory_space<vmem>>, vector<2000x1xf32>
    %div3A = vector.broadcast %get3A_11 : vector<2000x1xf32> to vector<2000x128xf32>
    %div3A_12 = arith.divf %add3A, %div3A : vector<2000x128xf32>
    %swap3A = arith.constant 0 : index
    %swap3A_13 = arith.constant 0 : index
    %swap3A_14 = vector.load %arg3[%swap3A, %swap3A_13] : memref<2000x128xf32, #tpu.memory_space<vmem>>, vector<2000x128xf32>
    tpu.vector_store %arg3[%swap3A, %swap3A_13], %div3A_12 {strides = array<i32>} : memref<2000x128xf32, #tpu.memory_space<vmem>>, vector<2000x128xf32>,
    return
  }
  func.func @transform_0(%arg0: i32) -> (i32, i32, i32) {
    %c0_i32 = arith.constant 0 : i32
    %c0_i32_0 = arith.constant 0 : i32
    %c0_i32_1 = arith.constant 0 : i32
    return %c0_i32, %arg0, %c0_i32_0 : i32, i32, i32
  }
  func.func @transform_1(%arg0: i32) -> (i32, i32) {
    %c0_i32 = arith.constant 0 : i32
    %c0_i32_0 = arith.constant 0 : i32
    return %arg0, %c0_i32 : i32, i32
  }
  func.func @transform_2(%arg0: i32) -> (i32, i32) {
    %c0_i32 = arith.constant 0 : i32
    %c0_i32_0 = arith.constant 0 : i32
    return %arg0, %c0_i32 : i32, i32
  }
}

</mosaic_0001>

<sc_bundles>
// kernel: kernel.4.cloned.1.call-start
scs
__scs_entry_jumppad:
0x0: {  	(pc) =	sbr.rel $0x88, $3  }
0x1: {  	(tag) =	ssettag $0x0;
	lr =	simm.s32 $0x1  }
0x2: {  	[smem:$0x3F9E] =	sst lr;
	_ =	strace $0xD0000000  }
0x3: {  	_ = 	snop  }
0x4: {  	_ = 	snop  }
0x5: {  	_ = 	snop  }
0x6: {  	_ = 	snop  }
0x7: {  	_ = 	snop  }
__scs_overlays_trampoline_lowered:
0x8: {  	[smem:$0x3FAD] =	sst s0  }
0x9: {  	[smem:$0x3FAE] =	sst s1  }
0xa: {  	[smem:$0x3FAF] =	sst s2  }
0xb: {  	[smem:$0x3FB0] =	sst s3  }
0xc: {  	[smem:$0x3FB1] =	sst s4  }
0xd: {  	[smem:$0x3FB2] =	sst s5  }
0xe: {  	[smem:$0x3FB3] =	sst s6  }
0xf: {  	[smem:$0x3FB4] =	sst s7  }
0x10: {  	[smem:$0x3FB5] =	sst s8  }
0x11: {  	[smem:$0x3FB6] =	sst s9;
	s0 =	simm.s32 @!p0 $0x0  }
0x12: {  	s1 =	sld [smem:$0x3F9C];
	s0 =	simm.s32 @p0 $0x1  }
0x13: {  	[smem:$0x3FB7] =	sst s0;
	s0 =	simm.s32 @!p1 $0x0  }
0x14: {  	s2 =	sld [smem:$0x3F9B];
	s0 =	simm.s32 @p1 $0x1  }
0x15: {  	[smem:$0x3FB8] =	sst s0;
	s0 =	simm.s32 @!p2 $0x0  }
0x16: {  	s3 =	sld [smem:$0x3FDB];
	s0 =	simm.s32 @p2 $0x1  }
0x17: {  	s4 =	simm.s32 $0x1BF5;
	[smem:$0x3FBA] =	sst s0  }
0x18: {  	s0 =	sld [smem:$0x3F9D];
	_ =	swait.ge [sflag:s4], $0x0  }
0x19: {  	s7 =	sld [smem:$0x3F9E]  }
0x1a: {  	s8 =	sadd.s32 $0xFFFFE003, lr  }
0x1b: {  	s9 =	sadd.s32 $0xFFFFFEF7, lr;
	s5 =	simm.s32 $0xFFFFFFFF;
	p2 =	slt.u32 s8, $0xFFFFF086  }
0x1c: {  	p1 =	slt.u32 s9, $0xF7A;
	s5 =	simm.s32 @!p2 $0x0  }
0x1d: {  	s5 =	simm.s32 @p1 $0x1;
	p0 =	seq.s32 s7, s2  }
0x1e: {  	s7 =	smul.u32 @!p0 $0xF7A, s2;
	p2 =	seq.s32 @!p0 s5, $0x0  }
0x1f: {  	s9 =	smul.u32 $0xF7A, s1;
	s8 =	simm.s32 @!p0 $0x1BF5;
	p2 =	por !p2, p0  }
0x20: {  	[sflag:s8] =	ssyncset.s32 @!p0 $0xFFFFF086;
	s6 =	sadd.s32 @!p0 s3, s7;
	s7 =	simm.s32 @!p0 $0x108  }
0x21: {  	s3 =	sadd.s32 s3, s9;
	s6 =	sadd.s32 @!p0 $0x88, s6;
	s7 =	simm.s32 @p2 $0x1082  }
0x22: {  	[simem:s7], [sflag:s8] =	dma.local @!p0 [hbm:s6], $0xF7A  }
0x23: {  	s9 =	sor.u32 $0xD0000000, s2;
	s6 =	simm.s32 $0x108;
	_ =	swait.ge @!p0 [sflag:s8], $0x0  }
0x24: {  	s3 =	sadd.s32 $0x88, s3;
	s6 =	simm.s32 @!p1 $0x1082;
	[sflag:s4] =	ssyncset.s32 $0xFFFFF086  }
0x25: {  	[simem:s6], [sflag:s4] =	dma.local [hbm:s3], $0xF7A  }
0x26: {  	[smem:$0x3F9E] =	sst s1;
	(tag) =	ssettag s2;
	_ =	strace s9  }
0x27: {  	s1 =	sld [smem:$0x3FAE]  }
0x28: {  	s2 =	sld [smem:$0x3FAF]  }
0x29: {  	s4 =	sld [smem:$0x3FB1]  }
0x2a: {  	p0 =	seq.s32 s5, $0x0;
	s5 =	sld [smem:$0x3FB2]  }
0x2b: {  	s6 =	sld [smem:$0x3FB3]  }
0x2c: {  	s7 =	sld [smem:$0x3FB4]  }
0x2d: {  	s3 =	simm.s32 $0x108;
	s8 =	sld [smem:$0x3FB5]  }
0x2e: {  	s3 =	simm.s32 @!p0 $0x1082;
	s9 =	sld [smem:$0x3FB6]  }
0x2f: {  	lr =	sadd.s32 s0, s3;
	s0 =	sld [smem:$0x3FAD]  }
0x30: {  	s3 =	sld [smem:$0x3FB0]  }
0x31: {  	[smem:$0x3FB9] =	sst s10  }
0x32: {  	s10 =	sld [smem:$0x3FB7];
	_ =	sdelay $0x3  }
0x33: {  	p0 =	seq.s32 s10, $0x1;
	s10 =	sld [smem:$0x3FB9];
	_ =	sdelay $0x3  }
0x34: {  	[smem:$0x3FB9] =	sst s10  }
0x35: {  	s10 =	sld [smem:$0x3FB8];
	_ =	sdelay $0x3  }
0x36: {  	p1 =	seq.s32 s10, $0x1;
	s10 =	sld [smem:$0x3FB9];
	_ =	sdelay $0x3  }
0x37: {  	[smem:$0x3FB9] =	sst s10  }
0x38: {  	s10 =	sld [smem:$0x3FBA]  }
0x39: {  	_ = 	snop;
	(pc) =	sbr.ind lr, $3  }
0x3a: {  	_ = 	snop  }
0x3b: {  	_ = 	snop  }
0x3c: {  	p2 =	seq.s32 s10, $0x1;
	s10 =	sld [smem:$0x3FB9]  }
0x3d: {  	_ =	shalt  }
0x3e: {  	_ =	shalt  }
0x3f: {  	_ =	shalt  }
0x40: {  	_ =	shalt  }
0x41: {  	_ =	shalt  }
0x42: {  	_ =	shalt  }
0x43: {  	_ =	shalt  }
0x44: {  	_ =	shalt  }
0x45: {  	_ =	shalt  }
0x46: {  	_ =	shalt  }
0x47: {  	_ =	shalt  }
0x48: {  	_ =	shalt  }
0x49: {  	_ =	shalt  }
0x4a: {  	_ =	shalt  }
0x4b: {  	_ =	shalt  }
0x4c: {  	_ =	shalt  }
0x4d: {  	_ =	shalt  }
0x4e: {  	_ =	shalt  }
0x4f: {  	_ =	shalt  }
0x50: {  	_ =	shalt  }
0x51: {  	_ =	shalt  }
0x52: {  	_ =	shalt  }
0x53: {  	_ =	shalt  }
0x54: {  	_ =	shalt  }
0x55: {  	_ =	shalt  }
0x56: {  	_ =	shalt  }
0x57: {  	_ =	shalt  }
0x58: {  	_ =	shalt  }
0x59: {  	_ =	shalt  }
0x5a: {  	_ =	shalt  }
0x5b: {  	_ =	shalt  }
0x5c: {  	_ =	shalt  }
0x5d: {  	_ =	shalt  }
0x5e: {  	_ =	shalt  }
0x5f: {  	_ =	shalt  }
0x60: {  	_ =	shalt  }
0x61: {  	_ =	shalt  }
0x62: {  	_ =	shalt  }
0x63: {  	_ =	shalt  }
0x64: {  	_ =	shalt  }
0x65: {  	_ =	shalt  }
0x66: {  	_ =	shalt  }
0x67: {  	_ =	shalt  }
0x68: {  	_ =	shalt  }
0x69: {  	_ =	shalt  }
0x6a: {  	_ =	shalt  }
0x6b: {  	_ =	shalt  }
0x6c: {  	_ =	shalt  }
0x6d: {  	_ =	shalt  }
0x6e: {  	_ =	shalt  }
0x6f: {  	_ =	shalt  }
0x70: {  	_ =	shalt  }
0x71: {  	_ =	shalt  }
0x72: {  	_ =	shalt  }
0x73: {  	_ =	shalt  }
0x74: {  	_ =	shalt  }
0x75: {  	_ =	shalt  }
0x76: {  	_ =	shalt  }
0x77: {  	_ =	shalt  }
0x78: {  	_ =	shalt  }
0x79: {  	_ =	shalt  }
0x7a: {  	_ =	shalt  }
0x7b: {  	_ =	shalt  }
0x7c: {  	_ =	shalt  }
0x7d: {  	_ =	shalt  }
0x7e: {  	_ =	shalt  }
0x7f: {  	_ =	shalt  }
0x80: {  	_ =	shalt  }
0x81: {  	_ =	shalt  }
0x82: {  	_ =	shalt  }
0x83: {  	_ =	shalt  }
0x84: {  	_ =	shalt  }
0x85: {  	_ =	shalt  }
0x86: {  	_ =	shalt  }
0x87: {  	_ =	shalt  }
.Lfunc_end0:
.L_simem_size_0:
called_computation_lowered:
.L_overlay_start_0:
0x88: {  	s2 =	sld [smem:$0x3FD9]  }
0x89: {  	s3 =	sld [smem:$0x3FFE];
	_ =	sdelay $0x1  }
0x8a: {  	s1 =	srdreg.scid  }
0x8b: {  	s0 =	sand.u32 $0x1, s1  }
0x8c: {  	s17 =	sshll.u32 s0, $0xA;
	s2 =	sadd.s32 s3, s2  }
0x8d: {  	s2 =	sadd.s32 s2, s17  }
0x8e: {  	[smem:$0x3FC5] =	sst s2  }
0x8f: {  	_ = 	snop  }
0x90: {  	s2 =	sld [smem:$0x3FC9]  }
0x91: {  	s18 =	sld [smem:$0x3FD0];
	(tm) =	ssettm $0x1  }
0x92: {  	s4 =	sld [smem:$0x3FFB];
	_ =	sdelay $0x3  }
0x93: {  	_ =	strace s4  }
0x94: {  	s4 =	sld [smem:$0x3FFC];
	_ =	sdelay $0x3  }
0x95: {  	_ =	strace s4  }
0x96: {  	s4 =	sld [smem:$0x3FFD];
	_ =	sdelay $0x3  }
0x97: {  	_ =	strace s4  }
0x98: {  	_ =	strace $0x8FFFFFFF  }
0x99: {  	s19 =	sld [smem:$0x3FDB];
	_ =	sdelay $0x1  }
0x9a: {  	s5 =	simm.s32 $_scs_section_size  }
0x9b: {  	s6 =	simm.s32 $_size__tile_overlayer_lowered;
	s7 =	simm.s32 $_tile_overlayer_lowered  }
0x9c: {  	s22 =	simm.s32 $0x1BFF;
	s21 =	sshll.u32 s7, $0x1;
	s4 =	sadd.s32 s5, s19  }
0x9d: {  	s8 =	simm.s32 $0x0;
	s20 =	sshll.u32 s6, $0x1;
	s6 =	sadd.s32 s21, s4  }
0x9e: {  	[timem:s8], [sflag:s22] =	dma.local [hbm:s6], s20  }
0x9f: {  	_ =	swait.ge [sflag:s22], s20  }
0xa0: {  	s5 =	ssub.s32 $0x0, s20;
	[sflag:s22] =	ssyncset.done $0x0  }
0xa1: {  	[sflag:s22] =	ssyncadd.s32 s5;
	_ =	sdelay $0x1  }
0xa2: {  	s23 =	simm.s32 $0x1B8B  }
0xa3: {  	_ =	swait.ge [sflag:s23], $0x1  }
0xa4: {  	[sflag:s23] =	ssyncset.done $0x0  }
0xa5: {  	s25 =	simm.s32 $0x1B8E;
	s24 =	sld [smem:$0x3FFE];
	[sflag:s23] =	ssyncadd.s32 $0xFFFFFFFF  }
0xa6: {  	s26 =	simm.s32 $execute0_lowered;
	[smem:$0x3FD2] =	sst s25  }
0xa7: {  	s6 =	sshll.u32 s26, $0x1;
	_ =	strace $0x80000046;
	[dreg:$0x1] =	wrdreg $0xFFFFFFFF  }
0xa8: {  	s28 =	simm.s32 $_size_execute0_lowered;
	s4 =	sadd.s32 s4, s6;
	[dreg:$0x0] =	wrdreg $0x0  }
0xa9: {  	s6 =	sshll.u32 s28, $0x1;
	[dreg:$0x2] =	wrdreg s4  }
0xaa: {  	[dreg:$0x3] =	wrdreg s6  }
0xab: {  	[dreg:$0x4] =	wrdreg $0xC0  }
0xac: {  	_ =	task [dreg:s8], $0x5FFFF  }
0xad: {  	[dreg:$0x1] =	wrdreg $0xFFFFFFFF  }
0xae: {  	[dreg:$0x0] =	wrdreg $0x60  }
0xaf: {  	[dreg:$0x2] =	wrdreg s2  }
0xb0: {  	[dreg:$0x3] =	wrdreg s18  }
0xb1: {  	[dreg:$0x4] =	wrdreg s24  }
0xb2: {  	[dreg:$0x5] =	wrdreg $0xA2000  }
0xb3: {  	[dreg:$0x6] =	wrdreg $0x9  }
0xb4: {  	_ =	task.clear_ibuf [dreg:s8], $0x7FFFF;
	_ =	strace $0x90000046  }
0xb5: {  	s29 =	simm.s32 $0x9;
	_ =	strace $0x80000048  }
0xb6: {  	_ =	swait.ge [sflag:s29], $0x1  }
0xb7: {  	[sflag:s29] =	ssyncadd.s32 $0xFFFFFFFF  }
0xb8: {  	_ =	strace $0x90000048  }
0xb9: {  	_ =	sfence  }
0xba: {  	s30 =	sld [smem:$0x0];
	_ =	sdelay $0x2  }
0xbb: {  	s31 =	sshll.u32 s1, $0xD;
	s1 =	sshrl.u32 s1, $0x2  }
0xbc: {  	s3 =	sand.u32 $0x4000, s31;
	s1 =	sadd.s32 s1, s30  }
0xbd: {  	s0 =	sor.u32 s3, s0;
	s1 =	sshll.u32 s1, $0x11  }
0xbe: {  	s0 =	sor.u32 s1, s0  }
0xbf: {  	s0 =	sadd.s32 $0x8F2B, s0  }
0xc0: {  	[sflag:s0] =	ssyncadd.remote.s32 $0x1  }
0xc1: {  	_ =	sfence.sel $0xFFFF  }
0xc2: {  	[dreg:$0x0] =	wrdreg $0xFFFFFFFF;
	(pc) =	sbr.abs _section_cstart, $3  }
0xc3: {  	[dreg:$0x1] =	wrdreg $0xFFFFFFFF  }
0xc4: {  	_ =	task.clear_ibuf [dreg:s8], $0x2FFFF;
	_ =	strace $0x9FFFFFFF  }
0xc5: {  	(tm) =	ssettm $0x7FFFFFFF  }
tec
execute0_lowered:
.L_overlay_start_1:
0x0: {  	(tag) =	ssettag $0x1  }
0x1: {  	s0 =	rddreg [dreg:$0x0]  }
0x2: {  	s2 =	rddreg [dreg:$0x1]  }
0x3: {  	s4 =	rddreg [dreg:$0x2]  }
0x4: {  	s1 =	rddreg [dreg:$0x3];
	s12 =	stileid.u32  }
0x5: {  	s5 =	srdreg.scid;
	s3 =	simm.s32 $0x0;
	s8 =	smul.u32 $0x14000, s12  }
0x6: {  	s28 =	simm.s32 $0x7800;
	s29 =	simm.s32 $0xA180;
	s16 =	smul.u32 $0x50000, s12  }
0x7: {  	s30 =	simm.s32 $0x2;
	s5 =	sand.u32 $0x1, s5;
	s24 =	smul.u32 $0x4E2, s12  }
0x8: {  	s31 =	simm.s32 $0x6;
	[smem:$0x7FF] =	sst s3;
	s6 =	smul.u32 $0x140000, s5  }
0x9: {  	s13 =	sadd.s32 $0x800, s4;
	s7 =	sshll.u32 s5, $0x4;
	s22 =	smul.u32 $0x4E20, s5  }
0xa: {  	s25 =	ssub.s32 $0x2, s5;
	s5 =	smul.u32 $0x271000, s5;
	s7 =	sor.u32 s12, s7  }
0xb: {  	s19 =	sshll.u32 s12, $0x6;
	_ =	strace $0x80000047;
	s9 =	smul.u32 $0x27100, s7  }
0xc: {  	[dreg:$0x5] =	wrdreg s13;
	s11 =	sshrl.u32 s25, $0x1;
	s10 =	smul.u32 $0x4E2, s7  }
0xd: {  	s18 =	sshrl.u32 s16, $0x2;
	s6 =	sadd.s32 s8, s6;
	s7 =	smul.u32 $0x2710, s7  }
0xe: {  	s26 =	ssub.s32 s25, s11;
	s25 =	smul.u32 $0x27100, s12;
	s6 =	sshrl.u32 s6, $0x3  }
0xf: {  	s26 =	smax.u32 s26, $0x1;
	s4 =	sadd.s32 s6, s4;
	s11 =	sadd.s32 s0, s9  }
0x10: {  	s13 =	sadd.s32 s2, s10;
	s14 =	sadd.s32 $0x50, s7;
	[dreg:$0x10] =	wrdreg s26  }
0x11: {  	s17 =	sadd.s32 $0xA0, s7;
	s10 =	sor.u32 $0x1C09, s19;
	[dreg:$0x6] =	wrdreg s11  }
0x12: {  	s7 =	sadd.s32 $0xF0, s7;
	s19 =	simm.s32 $0xA000;
	[dreg:$0x7] =	wrdreg s13  }
0x13: {  	s15 =	sshll.u32 s14, $0x4;
	s8 =	sshrl.u32 s14, $0x3;
	s4 =	sadd.s32 $0x3000, s4  }
0x14: {  	s20 =	sshll.u32 s17, $0x4;
	s9 =	sadd.s32 s0, s15;
	[dreg:$0xf] =	wrdreg s4  }
0x15: {  	s23 =	sshll.u32 s7, $0x4;
	s8 =	sadd.s32 s2, s8;
	[dreg:$0x8] =	wrdreg s9  }
0x16: {  	s7 =	sshrl.u32 s7, $0x3;
	s21 =	sadd.s32 s0, s20;
	[dreg:$0x9] =	wrdreg s8  }
0x17: {  	s26 =	simm.s32 $0x50;
	s7 =	sadd.s32 s2, s7;
	[dreg:$0xb] =	wrdreg s21  }
0x18: {  	s9 =	sadd.s32 s18, s1;
	s8 =	sshrl.u32 s17, $0x3;
	[dreg:$0xe] =	wrdreg s7  }
0x19: {  	s4 =	simm.s32 $0x0;
	[dreg:$0xa] =	wrdreg s9;
	s8 =	sadd.s32 s2, s8  }
0x1a: {  	s2 =	sadd.s32 s22, s2;
	s22 =	simm.s32 $0x9;
	[dreg:$0xc] =	wrdreg s8  }
0x1b: {  	s8 =	sadd.s32 s0, s23;
	s2 =	sadd.s32 s24, s2;
	s0 =	sadd.s32 s5, s0  }
0x1c: {  	s23 =	simm.s32 $0x8;
	s24 =	simm.s32 $0x5;
	[dreg:$0xd] =	wrdreg s8  }
0x1d: {  	s7 =	sadd.s32 $0x28, s2;
	s0 =	sadd.s32 s25, s0;
	s25 =	simm.s32 $0x1  }
0x1e: {  	s2 =	simm.s32 $0x7;
	s18 =	sadd.s32 $0x1400, s0;
	s0 =	simm.s32 $0x4  }
.LBB2_1:
0x1f: {  	s5 =	rddreg [dreg:$0x6]  }
0x20: {  	s12 =	rddreg [dreg:$0x7]  }
0x21: {  	s13 =	rddreg [dreg:$0x8]  }
0x22: {  	[tilespmem:s3], [sflag:$0x1] =	stream.linear.gather [hbm4b:s5+s3], $0x2800, $0x38;
	[tilespmem:$0x1E200] =	vst v63  }
0x23: {  	s14 =	rddreg [dreg:$0x9]  }
0x24: {  	[tilespmem:s19], [sflag:$0x1] =	stream.linear.gather [hbm4b:s12+s3], $0x50, $0x38;
	[tilespmem:$0x1E200] =	vst v63  }
0x25: {  	s8 =	simm.s32 $0x2800;
	s15 =	rddreg [dreg:$0xa]  }
0x26: {  	[tilespmem:s8], [sflag:$0x2] =	stream.linear.gather [hbm4b:s13+s3], $0x2800, $0x38;
	[tilespmem:$0x1E200] =	vst v63  }
0x27: {  	s9 =	simm.s32 $0xA080;
	s6 =	rddreg [dreg:$0x5];
	s5 =	sshrl.u32 s15, $0x3  }
0x28: {  	[tilespmem:s9], [sflag:$0x2] =	stream.linear.gather [hbm4b:s14+s3], $0x50, $0x38;
	[tilespmem:$0x1E200] =	vst v63  }
0x29: {  	[spmem:s5], [sflag:s10] =	dma.local [hbm:s6], $0x2800  }
0x2a: {  	_ =	swait.ge [sflag:s22], $0x2800  }
0x2b: {  	[sflag:s22] =	ssyncset.done $0x0  }
0x2c: {  	[sflag:s22] =	ssyncadd.s32 $0xFFFFD800  }
0x2d: {  	[bflag:$0x0] =	sbarrier.arrive $0xFFFF  }
0x2e: {  	s11 =	simm.s32 $0x5000;
	s16 =	rddreg [dreg:$0xb]  }
0x2f: {  	[tilespmem:s11], [sflag:$0x3] =	stream.linear.gather [hbm4b:s16+s3], $0x2800, $0x38;
	[tilespmem:$0x1E200] =	vst v63  }
0x30: {  	s20 =	simm.s32 $0xA100;
	s17 =	rddreg [dreg:$0xc]  }
0x31: {  	[tilespmem:s20], [sflag:$0x3] =	stream.linear.gather [hbm4b:s17+s3], $0x50, $0x38;
	[tilespmem:$0x1E200] =	vst v63  }
0x32: {  	_ =	swait.ge [sflag:s25], $0x2800  }
0x33: {  	[sflag:s25] =	ssyncset.done $0x0  }
0x34: {  	[sflag:s25] =	ssyncadd.s32 $0xFFFFD800  }
0x35: {  	_ =	swait.ge [sflag:s25], $0x50  }
0x36: {  	[sflag:s25] =	ssyncset.done $0x0  }
0x37: {  	[sflag:s25] =	ssyncadd.s32 $0xFFFFFFB0  }
0x38: {  	[spmem:s1] =	stream.indirect.scatter.add.f32 [tilespmem:s3], [sflag:$0x5], $0x80, s19, s26, $0xb8;
	[tilespmem:$0x1E200] =	vst v63  }
0x39: {  	s12 =	simm.s32 $0x0;
	s21 =	rddreg [dreg:$0xd]  }
0x3a: {  	[tilespmem:s28], [sflag:$0x4] =	stream.linear.gather [hbm4b:s21+s3], $0x2800, $0x38;
	[tilespmem:$0x1E200] =	vst v63  }
0x3b: {  	s6 =	sand.u32 $0x3, s12;
	s11 =	rddreg [dreg:$0xe]  }
0x3c: {  	[tilespmem:s29], [sflag:$0x4] =	stream.linear.gather [hbm4b:s11+s3], $0x50, $0x38;
	[tilespmem:$0x1E200] =	vst v63  }
0x3d: {  	s6 =	sadd.s32 $0x0, s6;
	_ =	swait.ge [sflag:s30], $0x2800  }
0x3e: {  	s6 =	sand.u32 $0xFC, s6;
	[sflag:s30] =	ssyncset.done $0x0  }
0x3f: {  	s6 =	ssub.s32 $0x0, s6;
	[sflag:s30] =	ssyncadd.s32 $0xFFFFD800  }
0x40: {  	s6 =	sshll.u32 s6, $0x18;
	_ =	swait.ge [sflag:s30], $0x50  }
0x41: {  	s13 =	sand.u32 $0x3, s0;
	s6 =	sshra.s32 s6, $0x18;
	[sflag:s30] =	ssyncset.done $0x0  }
0x42: {  	s14 =	smul.u32 $0xA000, s13;
	s6 =	sadd.s32 $0x5, s6;
	[sflag:s30] =	ssyncadd.s32 $0xFFFFFFB0  }
0x43: {  	[spmem:s1] =	stream.indirect.scatter.add.f32 [tilespmem:s8], [sflag:$0x6], $0x80, s9, s26, $0xb8;
	[tilespmem:$0x1E200] =	vst v63  }
0x44: {  	s15 =	sshll.u32 s13, $0x7;
	s12 =	simm.s32 $0x2;
	_ =	swait.ge [sflag:s6], $0x2800  }
0x45: {  	s16 =	sadd.s32 $0x1, s13;
	s17 =	sshrl.u32 s14, $0x2;
	[sflag:s6] =	ssyncset.done $0x0  }
0x46: {  	s20 =	sor.u32 $0xA000, s15;
	s9 =	sand.u32 $0x3, s12;
	[sflag:s6] =	ssyncadd.s32 $0xFFFFD800  }
0x47: {  	[tilespmem:s17], [sflag:s16] =	stream.linear.gather [hbm4b:s18+s3], $0x2800, $0x38;
	[tilespmem:$0x1E200] =	vst v63  }
0x48: {  	s15 =	simm.s32 $0x6;
	s21 =	simm.s32 $0x0;
	s11 =	sadd.s32 $0x1, s9  }
0x49: {  	[tilespmem:s20], [sflag:s16] =	stream.linear.gather [hbm4b:s7+s3], $0x50, $0x38;
	[tilespmem:$0x1E200] =	vst v63  }
0x4a: {  	s12 =	simm.s32 $0x1;
	s8 =	sand.u32 $0x3, s21;
	_ =	swait.ge [sflag:s11], $0x2800  }
0x4b: {  	s13 =	smul.u32 $0xA000, s9;
	s14 =	sshll.u32 s9, $0x7;
	[sflag:s11] =	ssyncset.done $0x0  }
0x4c: {  	s6 =	simm.s32 $0x5;
	s17 =	smov.u32 s7;
	[sflag:s11] =	ssyncadd.s32 $0xFFFFD800  }
0x4d: {  	s16 =	sadd.s32 $0x1, s8;
	s8 =	sadd.s32 $0x500, s18;
	_ =	swait.ge [sflag:s11], $0x50  }
.LBB2_2:
0x4e: {  	s16 =	sand.u32 $0xFC, s16  }
0x4f: {  	s17 =	sadd.s32 $0xA, s17;
	s20 =	smov.u32 s15;
	s21 =	sadd.s32 $0x1, s15  }
0x50: {  	p0 =	sne.s32 s15, $0x7C;
	s12 =	ssub.s32 s12, s16  }
0x51: {  	s14 =	sor.u32 $0xA000, s14;
	s9 =	sadd.s32 $0x5, s9;
	s12 =	sshll.u32 s12, $0x18  }
0x52: {  	s13 =	sshrl.u32 s13, $0x2;
	s12 =	sshra.s32 s12, $0x18;
	[sflag:s11] =	ssyncset.done $0x0  }
0x53: {  	s15 =	sand.u32 $0x3, s6;
	s12 =	sadd.s32 $0x5, s12;
	[sflag:s11] =	ssyncadd.s32 $0xFFFFFFB0  }
0x54: {  	[spmem:s1] =	stream.indirect.scatter.add.f32 [tilespmem:s13], [sflag:s9], $0x80, s14, s26, $0xb8;
	[tilespmem:$0x1E200] =	vst v63  }
0x55: {  	s11 =	sshll.u32 s15, $0x7;
	s9 =	smul.u32 $0xA000, s15;
	_ =	swait.ge [sflag:s12], $0x2800  }
0x56: {  	s13 =	sadd.s32 $0xFFFFFFFE, s6;
	s6 =	smov.u32 s20;
	[sflag:s12] =	ssyncset.done $0x0  }
0x57: {  	s9 =	sshrl.u32 s9, $0x2;
	[sflag:s12] =	ssyncadd.s32 $0xFFFFD800;
	s12 =	sadd.s32 $0x1, s15  }
0x58: {  	[tilespmem:s9], [sflag:s12] =	stream.linear.gather [hbm4b:s8+s3], $0x2800, $0x38;
	[tilespmem:$0x1E200] =	vst v63  }
0x59: {  	s9 =	sand.u32 $0x3, s13  }
0x5a: {  	s11 =	sor.u32 $0xA000, s11;
	s13 =	smul.u32 $0xA000, s9  }
0x5b: {  	[tilespmem:s11], [sflag:s12] =	stream.linear.gather [hbm4b:s17+s3], $0x50, $0x38;
	[tilespmem:$0x1E200] =	vst v63  }
.Ltmp0:
0x5c: {  	s12 =	sadd.s32 $0xFFFFFFFC, s6;
	s11 =	sadd.s32 $0x1, s9;
	(pc) =	sbr.rel @p0 .LBB2_2-.Ltmp0, $4  }
0x5d: {  	s14 =	sshll.u32 s9, $0x7;
	s15 =	sshll.u32 s12, $0x18;
	_ =	swait.ge [sflag:s11], $0x2800  }
0x5e: {  	s15 =	sshra.s32 s15, $0x1F;
	[sflag:s11] =	ssyncset.done $0x0  }
0x5f: {  	s8 =	sadd.s32 $0x500, s8;
	s15 =	sand.u32 $0x3, s15;
	[sflag:s11] =	ssyncadd.s32 $0xFFFFD800  }
0x60: {  	s16 =	sadd.s32 s15, s12;
	s15 =	smov.u32 s21;
	_ =	swait.ge [sflag:s11], $0x50  }
0x61: {  	[sflag:s11] =	ssyncset.done $0x0;
	s14 =	sor.u32 $0xA000, s14;
	s9 =	sadd.s32 $0x5, s9  }
0x62: {  	s13 =	sshrl.u32 s13, $0x2;
	s15 =	sand.u32 $0xFC, s16;
	[sflag:s11] =	ssyncadd.s32 $0xFFFFFFB0  }
0x63: {  	[spmem:s1] =	stream.indirect.scatter.add.f32 [tilespmem:s13], [sflag:s9], $0x80, s14, s26, $0xb8;
	[tilespmem:$0x1E200] =	vst v63  }
0x64: {  	s9 =	ssub.s32 s12, s15  }
0x65: {  	s9 =	sshll.u32 s9, $0x18  }
0x66: {  	s9 =	sshra.s32 s9, $0x18  }
0x67: {  	s16 =	sand.u32 $0x3, s6;
	s9 =	sadd.s32 $0x5, s9  }
0x68: {  	s20 =	smul.u32 $0xA000, s16;
	_ =	swait.ge [sflag:s9], $0x2800  }
0x69: {  	s21 =	sadd.s32 $0x1, s16;
	[sflag:s9] =	ssyncset.done $0x0  }
0x6a: {  	s14 =	sadd.s32 $0xFFFFFFFE, s6;
	s12 =	sshrl.u32 s20, $0x2;
	[sflag:s9] =	ssyncadd.s32 $0xFFFFD800  }
0x6b: {  	[tilespmem:s12], [sflag:s21] =	stream.linear.gather [hbm4b:s8+s3], $0x2800, $0x38;
	[tilespmem:$0x1E200] =	vst v63  }
0x6c: {  	s6 =	sand.u32 $0x3, s14;
	s12 =	sshll.u32 s16, $0x7  }
0x6d: {  	s13 =	sadd.s32 $0xA, s17;
	s15 =	sadd.s32 $0x1, s6;
	s8 =	sor.u32 $0xA000, s12  }
0x6e: {  	[tilespmem:s8], [sflag:s21] =	stream.linear.gather [hbm4b:s13+s3], $0x50, $0x38;
	[tilespmem:$0x1E200] =	vst v63  }
0x6f: {  	_ =	swait.ge [sflag:s15], $0x2800  }
0x70: {  	[sflag:s15] =	ssyncset.done $0x0  }
0x71: {  	[sflag:s15] =	ssyncadd.s32 $0xFFFFD800  }
0x72: {  	s16 =	smul.u32 $0xA000, s6;
	_ =	swait.ge [sflag:s15], $0x50  }
0x73: {  	s17 =	sshll.u32 s6, $0x7;
	s6 =	sadd.s32 $0x5, s6;
	[sflag:s15] =	ssyncset.done $0x0  }
0x74: {  	s8 =	sor.u32 $0xA000, s17;
	s9 =	sshrl.u32 s16, $0x2;
	[sflag:s15] =	ssyncadd.s32 $0xFFFFFFB0  }
0x75: {  	[spmem:s1] =	stream.indirect.scatter.add.f32 [tilespmem:s9], [sflag:s6], $0x80, s8, s26, $0xb8;
	[tilespmem:$0x1E200] =	vst v63  }
0x76: {  	_ =	swait.ge [sflag:s31], $0x2800  }
0x77: {  	[sflag:s31] =	ssyncset.done $0x0  }
0x78: {  	[sflag:s31] =	ssyncadd.s32 $0xFFFFD800  }
0x79: {  	_ =	swait.ge [sflag:s0], $0x2800  }
0x7a: {  	[sflag:s0] =	ssyncset.done $0x0  }
0x7b: {  	[sflag:s0] =	ssyncadd.s32 $0xFFFFD800  }
0x7c: {  	_ =	swait.ge [sflag:s0], $0x50  }
0x7d: {  	[sflag:s0] =	ssyncset.done $0x0  }
0x7e: {  	[sflag:s0] =	ssyncadd.s32 $0xFFFFFFB0  }
0x7f: {  	[spmem:s1] =	stream.indirect.scatter.add.f32 [tilespmem:s28], [sflag:$0x8], $0x80, s29, s26, $0xb8;
	[tilespmem:$0x1E200] =	vst v63  }
0x80: {  	_ =	swait.ge [sflag:s2], $0x2800  }
0x81: {  	[sflag:s2] =	ssyncset.done $0x0  }
0x82: {  	[sflag:s2] =	ssyncadd.s32 $0xFFFFD800  }
0x83: {  	_ =	swait.ge [sflag:s25], $0x2800  }
0x84: {  	[sflag:s25] =	ssyncset.done $0x0  }
0x85: {  	[sflag:s25] =	ssyncadd.s32 $0xFFFFD800  }
0x86: {  	_ =	swait.ge [sflag:s25], $0x50  }
0x87: {  	[sflag:s25] =	ssyncset.done $0x0  }
0x88: {  	[sflag:s25] =	ssyncadd.s32 $0xFFFFFFB0  }
0x89: {  	[spmem:s1] =	stream.indirect.scatter.add.f32 [tilespmem:s3], [sflag:$0x5], $0x80, s19, s26, $0xb8;
	[tilespmem:$0x1E200] =	vst v63  }
0x8a: {  	_ =	swait.ge [sflag:s23], $0x2800  }
0x8b: {  	[sflag:s23] =	ssyncset.done $0x0  }
0x8c: {  	[sflag:s23] =	ssyncadd.s32 $0xFFFFD800  }
0x8d: {  	_ =	swait.ge [sflag:s24], $0x2800  }
0x8e: {  	[sflag:s24] =	ssyncset.done $0x0  }
0x8f: {  	[sflag:s24] =	ssyncadd.s32 $0xFFFFD800  }
0x90: {  	[bflag:$0x0] =	sbarrier.arrive $0xFFFF  }
0x91: {  	s20 =	rddreg [dreg:$0xf]  }
0x92: {  	[hbm:s20], [sflag:s10] =	dma.local [spmem:s5], $0x2800  }
0x93: {  	_ =	swait.ge [sflag:s22], $0x2800  }
0x94: {  	s4 =	sadd.s32 $0x1, s4;
	s21 =	rddreg [dreg:$0x10]  }
0x95: {  	p0 =	sne.s32 s4, s21  }
.Ltmp1:
0x96: {  	_ = 	snop;
	(pc) =	sbr.rel @p0 .LBB2_1-.Ltmp1, $3  }
0x97: {  	_ =	sdelay $0x1  }
0x98: {  	[sflag:s22] =	ssyncset.done $0x0  }
0x99: {  	[sflag:s22] =	ssyncadd.s32 $0xFFFFD800  }
0x9a: {  	_ =	sfence.sel $0x180000  }
0x9b: {  	[bflag:$0x0] =	sbarrier.arrive $0xFFFF  }
0x9c: {  	_ =	strace $0x90000047  }
0x9d: {  	s0 =	stileid.u32;
	[bflag:$0x2] =	sbarrier.arrive $0xFFFF  }
0x9e: {  	p0 =	sne.s32 s0, $0x0;
	s0 =	rddreg [dreg:$0x4]  }
0x9f: {  	s0 =	sadd.s32 @!p0 $0x100000, s0  }
0xa0: {  	[sflag:s0] =	ssyncadd.tile.s32 @!p0 $0x1;
	_ =	shalt  }
.Lfunc_end2:
_tile_overlayer_lowered:
.L_overlay_start_2:
0xa1: {  	(tag) =	ssettag $0x2  }
0xa2: {  	s0 =	rddreg [dreg:$0x0];
	s2 =	stileid.u32  }
0xa3: {  	s1 =	rddreg [dreg:$0x1];
	p0 =	sne.s32 s2, $0x0  }
0xa4: {  	s3 =	rddreg [dreg:$0x2];
	[bflag:$0x3] =	sbarrier.arrive $0xFFFF;
	s2 =	simm.s32 @!p0 $0x1C09  }
0xa5: {  	[timem:s3], [sflag:s2] =	dma.local @!p0 [hbm:s0], s1  }
0xa6: {  	s0 =	simm.s32 @!p0 $0x9  }
0xa7: {  	_ =	swait.ge @!p0 [sflag:s0], s1  }
0xa8: {  	s1 =	ssub.s32 @!p0 $0x0, s1;
	[sflag:s0] =	ssyncset.done @!p0 $0x0  }
0xa9: {  	[sflag:s0] =	ssyncadd.s32 @!p0 s1  }
0xaa: {  	[bflag:$0x3] =	sbarrier.arrive $0xFFFF  }
0xab: {  	_ =	shalt  }

</sc_bundles>
